<compile_context>
chip_gen: v7x
topology: tpu7x:2x2x1
jax: 0.10.2.dev20260603
libtpu: 0.0.44.dev20260713+nightly
codegen_flags: <defaults>
</compile_context>

<pallas_src>
import functools

import jax
import jax.numpy as jnp
from jax import lax
from jax.experimental import pallas as pl
from jax.experimental.pallas import tpu as pltpu
from jax.experimental.pallas import tpu_sc as plsc

B_, N_, K1_, K2_ = 8, 1024, 16, 4
BN_ = B_ * N_
EPS = 1e-5


def _topk_body(pc_ref, idx_ref):
    xt = pc_ref[0]
    inner = -2.0 * lax.dot_general(
        xt, xt, (((1,), (1,)), ((), ())), preferred_element_type=jnp.float32
    )
    sq = xt * xt
    xx = jnp.sum(sq, axis=1, keepdims=True)
    ones_row = jnp.ones((1, 8), jnp.float32)
    xx_row = lax.dot_general(
        ones_row, sq, (((1,), (1,)), ((), ())),
        preferred_element_type=jnp.float32,
        precision=lax.Precision.HIGHEST,
    )
    vals = -xx - inner - xx_row
    cols = lax.broadcasted_iota(jnp.int32, (N_, N_), 1)
    picks = []
    for _ in range(K1_):
        m = jnp.max(vals, axis=1, keepdims=True)
        cand = jnp.where(vals == m, cols, N_)
        amin = jnp.min(cand, axis=1, keepdims=True)
        picks.append(amin)
        vals = jnp.where(cols == amin, -jnp.inf, vals)
    idx_ref[0] = jnp.concatenate(picks, axis=1)


def _topk_call(pc_pad):
    return pl.pallas_call(
        _topk_body,
        grid=(B_,),
        in_specs=[pl.BlockSpec((1, N_, 8), lambda b: (b, 0, 0))],
        out_specs=pl.BlockSpec((1, N_, K1_), lambda b: (b, 0, 0)),
        out_shape=jax.ShapeDtypeStruct((B_, N_, K1_), jnp.int32),
    )(pc_pad)


def _sc_gather(table, idx_flat):
    info = plsc.get_sparse_core_info()
    nw = info.num_cores * info.num_subcores
    tot = idx_flat.shape[0]
    b_per_w = tot // nw
    mesh = plsc.VectorSubcoreMesh(core_axis_name="c", subcore_axis_name="s")

    @functools.partial(
        pl.kernel,
        mesh=mesh,
        compiler_params=pltpu.CompilerParams(use_tc_tiling_on_sc=False),
        out_type=jax.ShapeDtypeStruct((tot, 16), jnp.float32),
        scratch_types=[
            pltpu.VMEM((b_per_w,), jnp.int32),
            pltpu.VMEM((b_per_w, 16), jnp.float32),
            pltpu.SemaphoreType.DMA,
        ],
    )
    def gather_k(table_hbm, idx_hbm, out_hbm, idx_v, rows_v, sem):
        wid = lax.axis_index("s") * info.num_cores + lax.axis_index("c")
        base = wid * b_per_w
        pltpu.sync_copy(idx_hbm.at[pl.ds(base, b_per_w)], idx_v)
        pltpu.async_copy(table_hbm.at[idx_v], rows_v, sem).wait()
        pltpu.sync_copy(rows_v, out_hbm.at[pl.ds(base, b_per_w)])

    return gather_k(table, idx_flat)


MBLK = 4096
NJ = BN_ // MBLK


def _chain_body(kk, rows_ref, mask_ref, w1_ref, w2_ref, w3_ref, w4_ref,
                g1_ref, b1_ref, g2_ref, b2_ref, g3_ref, b3_ref, g4_ref, b4_ref,
                mx1_ref, mx2_ref, mx3_ref, mx4_ref,
                s1, q1, s2, q2, s3, q3, s4, q4,
                c1, c2, c3, c4):
    p = pl.program_id(0)
    j = pl.program_id(1)
    k = pl.program_id(2)
    cnt = float(kk * BN_)
    mk = mask_ref[0]
    ones_col = jnp.ones((MBLK, 1), jnp.float32)

    @pl.when((p == 0) & (j == 0) & (k == 0))
    def _():
        for r in (s1, q1, s2, q2, s3, q3, s4, q4):
            r[...] = jnp.zeros_like(r)

    def colsum(y):
        return lax.dot_general(
            y, ones_col, (((1,), (0,)), ((), ())),
            preferred_element_type=jnp.float32,
            precision=lax.Precision.HIGHEST)

    def acc(sref, qref, y):
        sref[...] += colsum(y)
        qref[...] += colsum(y * y)

    def coef(cref, sref, qref, gref, bref):
        mean = sref[:, :1] / cnt
        var = qref[:, :1] / cnt - mean * mean
        sc = gref[...] / jnp.sqrt(var + EPS)
        cref[:, :1] = sc
        cref[:, 1:2] = bref[...] - mean * sc

    def aff_relu(y, cref):
        return jnp.maximum(y * cref[:, :1] + cref[:, 1:2], 0.0)

    def upd_max(ref, h):
        hm = h * mk

        @pl.when(k == 0)
        def _():
            ref[...] = hm

        @pl.when(k > 0)
        def _():
            ref[...] = jnp.maximum(ref[...], hm)

    first = (j == 0) & (k == 0)

    @pl.when((p == 1) & first)
    def _():
        coef(c1, s1, q1, g1_ref, b1_ref)

    @pl.when((p == 2) & first)
    def _():
        coef(c2, s2, q2, g2_ref, b2_ref)

    @pl.when((p == 3) & first)
    def _():
        coef(c3, s3, q3, g3_ref, b3_ref)

    @pl.when((p == 4) & first)
    def _():
        coef(c4, s4, q4, g4_ref, b4_ref)

    y1 = lax.dot_general(
        w1_ref[...], rows_ref[...], (((1,), (1,)), ((), ())),
        preferred_element_type=jnp.float32,
    )

    def h1_():
        return aff_relu(y1, c1)

    def h2_(h1):
        y2 = jnp.dot(w2_ref[...], h1, preferred_element_type=jnp.float32)
        return aff_relu(y2, c2)

    def h3_(h2):
        y3 = jnp.dot(w3_ref[...], h2, preferred_element_type=jnp.float32)
        return aff_relu(y3, c3)

    @pl.when(p == 0)
    def _():
        acc(s1, q1, y1)

    @pl.when(p == 1)
    def _():
        h1 = h1_()
        upd_max(mx1_ref, h1)
        acc(s2, q2, jnp.dot(w2_ref[...], h1, preferred_element_type=jnp.float32))

    @pl.when(p == 2)
    def _():
        h2 = h2_(h1_())
        upd_max(mx2_ref, h2)
        acc(s3, q3, jnp.dot(w3_ref[...], h2, preferred_element_type=jnp.float32))

    @pl.when(p == 3)
    def _():
        h3 = h3_(h2_(h1_()))
        upd_max(mx3_ref, h3)
        acc(s4, q4, jnp.dot(w4_ref[...], h3, preferred_element_type=jnp.float32))

    @pl.when(p == 4)
    def _():
        y4 = jnp.dot(w4_ref[...], h3_(h2_(h1_())),
                     preferred_element_type=jnp.float32)
        h4 = aff_relu(y4, c4)
        upd_max(mx4_ref, h4)


def _chain_call(rows, mask3, kk, w1p, W2, W3, W4,
                g1, b1, g2, b2, g3, b3, g4, b4):
    def park(active_p):
        return lambda p, j, k: (
            0, jnp.where(p == active_p, j, jnp.where(p < active_p, NJ, NJ + 1)))

    cdim = BN_ + 2 * MBLK
    out = pl.pallas_call(
        functools.partial(_chain_body, kk),
        grid=(5, NJ, kk),
        in_specs=[
            pl.BlockSpec((MBLK, 16), lambda p, j, k: (k * NJ + j, 0)),
            pl.BlockSpec((1, 1, MBLK), lambda p, j, k: (k, 0, j)),
        ] + [pl.BlockSpec(w.shape, lambda p, j, k: (0, 0))
             for w in (w1p, W2, W3, W4)]
          + [pl.BlockSpec((v.shape[0], 1), lambda p, j, k: (0, 0))
             for v in (g1, b1, g2, b2, g3, b3, g4, b4)],
        out_specs=[
            pl.BlockSpec((64, MBLK), park(1)),
            pl.BlockSpec((64, MBLK), park(2)),
            pl.BlockSpec((128, MBLK), park(3)),
            pl.BlockSpec((256, MBLK), park(4)),
        ],
        out_shape=[
            jax.ShapeDtypeStruct((64, cdim), jnp.float32),
            jax.ShapeDtypeStruct((64, cdim), jnp.float32),
            jax.ShapeDtypeStruct((128, cdim), jnp.float32),
            jax.ShapeDtypeStruct((256, cdim), jnp.float32),
        ],
        scratch_shapes=[
            pltpu.VMEM((64, 128), jnp.float32), pltpu.VMEM((64, 128), jnp.float32),
            pltpu.VMEM((64, 128), jnp.float32), pltpu.VMEM((64, 128), jnp.float32),
            pltpu.VMEM((128, 128), jnp.float32), pltpu.VMEM((128, 128), jnp.float32),
            pltpu.VMEM((256, 128), jnp.float32), pltpu.VMEM((256, 128), jnp.float32),
            pltpu.VMEM((64, 128), jnp.float32), pltpu.VMEM((64, 128), jnp.float32),
            pltpu.VMEM((128, 128), jnp.float32), pltpu.VMEM((256, 128), jnp.float32),
        ],
        compiler_params=pltpu.CompilerParams(
            vmem_limit_bytes=112 * 1024 * 1024),
    )(rows, mask3, w1p, W2, W3, W4,
      g1[:, None], b1[:, None], g2[:, None], b2[:, None],
      g3[:, None], b3[:, None], g4[:, None], b4[:, None])
    mx1, mx2, mx3, mx4 = out
    cat = jnp.concatenate(
        [mx1[:, :BN_], mx2[:, :BN_], mx3[:, :BN_], mx4[:, :BN_]], axis=0)
    return jnp.transpose(cat.reshape(512, B_, N_), (1, 0, 2))


def kernel(pointcloud, W1, W2, W3, W4, g1, b1, g2, b2, g3, b3, g4, b4, mask1, mask2):
    pc_pad = jnp.pad(pointcloud, ((0, 0), (0, 0), (0, 5)))
    idx = _topk_call(pc_pad)

    base = (jnp.arange(B_, dtype=jnp.int32) * N_)[:, None, None]
    gidx = jnp.transpose(idx + base, (2, 0, 1)).reshape(-1)
    table = jnp.pad(pointcloud.reshape(BN_, 3), ((0, 0), (0, 13)))
    rows = _sc_gather(table, gidx)

    w1p = jnp.pad(W1, ((0, 0), (0, 13)))
    m1 = jnp.transpose(mask1, (3, 1, 0, 2)).reshape(K1_, 1, BN_)
    m2 = jnp.transpose(mask2, (3, 1, 0, 2)).reshape(K2_, 1, BN_)

    lf1_m = _chain_call(rows, m1, K1_, w1p, W2, W3, W4,
                        g1, b1, g2, b2, g3, b3, g4, b4)
    lf2_m = _chain_call(rows, m2, K2_, w1p, W2, W3, W4,
                        g1, b1, g2, b2, g3, b3, g4, b4)
    return (lf1_m, lf2_m)

# --- scband reference (transcript-rebuilt; emitter-appended) ---
"""Pipeline reference for scband-encoder-68341519614778 (READ-ONLY COPY).

The authoritative reference and input builder live on the scoring server;
editing this copy changes nothing except your own understanding.
"""

import jax, jax.numpy as jnp
import numpy as np

B, N, K1, K2 = 8, 1024, 16, 4


def setup_inputs(seed: int = 0) -> dict:
    key = jax.random.key(seed)
    ks = jax.random.split(key, 8)
    pointcloud = jax.random.normal(ks[0], (B, N, 3), dtype=jnp.float32)
    W1 = jax.random.normal(ks[1], (64, 3), dtype=jnp.float32) * 0.1
    W2 = jax.random.normal(ks[2], (64, 64), dtype=jnp.float32) * 0.1
    W3 = jax.random.normal(ks[3], (128, 64), dtype=jnp.float32) * 0.1
    W4 = jax.random.normal(ks[4], (256, 128), dtype=jnp.float32) * 0.1
    g1 = jnp.ones((64,), jnp.float32); b1 = jnp.zeros((64,), jnp.float32)
    g2 = jnp.ones((64,), jnp.float32); b2 = jnp.zeros((64,), jnp.float32)
    g3 = jnp.ones((128,), jnp.float32); b3 = jnp.zeros((128,), jnp.float32)
    g4 = jnp.ones((256,), jnp.float32); b4 = jnp.zeros((256,), jnp.float32)
    mask1 = (jax.random.uniform(ks[5], (B, 1, N, K1)) > 0.3).astype(jnp.float32)
    mask2 = (jax.random.uniform(ks[6], (B, 1, N, K2)) > 0.3).astype(jnp.float32)
    return {"pointcloud": pointcloud, "W1": W1, "W2": W2, "W3": W3, "W4": W4,
            "g1": g1, "b1": b1, "g2": g2, "b2": b2, "g3": g3, "b3": b3,
            "g4": g4, "b4": b4, "mask1": mask1, "mask2": mask2}


def _knn(x, k):
    # x: [B, 3, N]
    inner = -2.0 * jnp.matmul(jnp.transpose(x, (0, 2, 1)), x)
    xx = jnp.sum(x ** 2, axis=1, keepdims=True)  # [B,1,N]
    pairwise = -xx - inner - jnp.transpose(xx, (0, 2, 1))
    idx = jax.lax.top_k(pairwise, k)[1]  # [B,N,k]
    return idx


def _get_neighbors(x, k):
    # x: [B, 3, N] -> nbrs [B, 3, N, k]
    idx = _knn(x, k)
    idx_base = jnp.arange(B, dtype=idx.dtype).reshape(-1, 1, 1) * N
    idx = (idx + idx_base).reshape(-1)
    xyz = jnp.transpose(x, (0, 2, 1)).reshape(B * N, -1)
    nbr = jnp.take(xyz, idx, axis=0).reshape(B, N, k, 3)
    return jnp.transpose(nbr, (0, 3, 1, 2))


def _conv1x1(x, W):
    # x: [B, C_in, N, K], W: [C_out, C_in]
    return jnp.einsum('oc,bcnk->bonk', W, x)


def _bn2d(x, g, b, eps=1e-5):
    mean = jnp.mean(x, axis=(0, 2, 3), keepdims=True)
    var = jnp.mean((x - mean) ** 2, axis=(0, 2, 3), keepdims=True)
    xh = (x - mean) / jnp.sqrt(var + eps)
    return xh * g[None, :, None, None] + b[None, :, None, None]


def _branch(lf, W1, W2, W3, W4, g1, b1, g2, b2, g3, b3, g4, b4):
    h1 = jax.nn.relu(_bn2d(_conv1x1(lf, W1), g1, b1))
    h2 = jax.nn.relu(_bn2d(_conv1x1(h1, W2), g2, b2))
    h3 = jax.nn.relu(_bn2d(_conv1x1(h2, W3), g3, b3))
    h4 = jax.nn.relu(_bn2d(_conv1x1(h3, W4), g4, b4))
    return jnp.concatenate((h1, h2, h3, h4), axis=1)  # [B,512,N,k]


def reference(pointcloud, W1, W2, W3, W4, g1, b1, g2, b2, g3, b3, g4, b4, mask1, mask2):
    pc = jnp.transpose(pointcloud, (0, 2, 1))  # [B,3,N]
    lf1 = _get_neighbors(pc, K1)               # [B,3,N,K1]
    lf2 = lf1[:, :, :, :K2]                    # [B,3,N,K2]
    lf1_f = _branch(lf1, W1, W2, W3, W4, g1, b1, g2, b2, g3, b3, g4, b4)
    lf2_f = _branch(lf2, W1, W2, W3, W4, g1, b1, g2, b2, g3, b3, g4, b4)
    lf1_m = jnp.max(lf1_f * mask1, axis=-1)
    lf2_m = jnp.max(lf2_f * mask2, axis=-1)
    return (lf1_m, lf2_m)

if __name__ == "__main__":
    import jax
    _d = setup_inputs()
    print(jax.jit(kernel)(*tuple(_d.values())))

</pallas_src>

<mosaic_0001>
#map = affine_map<(d0, d1) -> (0, 0)>
#map1 = affine_map<(d0, d1) -> (0)>
module attributes {stable_mosaic.version = 14 : i64} {
  func.func @gather_k(%arg0: i32, %arg1: i32, %arg2: memref<8192x16xf32, #tpu.memory_space<hbm>>, %arg3: memref<131072xi32, #tpu.memory_space<hbm>>, %arg4: memref<131072x16xf32, #tpu.memory_space<hbm>>, %arg5: memref<4096xi32, #tpu.memory_space<vmem>>, %arg6: memref<4096x16xf32, #tpu.memory_space<vmem>>, %arg7: memref<!tpu.dma_semaphore, #tpu.memory_space<semaphore_mem>>) attributes {dimension_semantics = [#tpu.dimension_semantics<core_parallel>, #tpu.dimension_semantics<subcore_parallel>], iteration_bounds = array<i64: 2, 16>, scalar_prefetch = 0 : i64, scratch_operands = 3 : i64, tpu.core_type = #tpu.core_type<sc_vector_subcore>, window_params = [{transform_indices = #map}, {transform_indices = #map1}, {transform_indices = #map}]} {
    %mul3A = arith.constant 2 : i32
    %mul3A_0 = arith.muli %arg1, %mul3A : i32
    %add3A = arith.addi %mul3A_0, %arg0 : i32
    %mul3A_1 = arith.constant 4096 : i32
    %mul3A_2 = arith.muli %add3A, %mul3A_1 : i32
    "tpu.region"() ({
      %run_scoped3A = tpu.sem_alloc : memref<!tpu.dma_semaphore, #tpu.memory_space<semaphore_mem>>
      %dma_start3A_7 = tpu.memref_slice %arg3[%mul3A_2] : memref<131072xi32, #tpu.memory_space<hbm>> -> memref<4096xi32, #tpu.memory_space<hbm>>
      %dma_start3A_8 = tpu.memref_slice %arg3[%mul3A_2] : memref<131072xi32, #tpu.memory_space<hbm>> -> memref<4096xi32, #tpu.memory_space<hbm>>
      tpu.enqueue_dma source(%dma_start3A_8 : memref<4096xi32, #tpu.memory_space<hbm>>) target(%arg5 : memref<4096xi32, #tpu.memory_space<vmem>>) target_semaphore(%run_scoped3A : memref<!tpu.dma_semaphore, #tpu.memory_space<semaphore_mem>>)
      %dma_wait3A_9 = tpu.memref_slice %arg3[%mul3A_2] : memref<131072xi32, #tpu.memory_space<hbm>> -> memref<4096xi32, #tpu.memory_space<hbm>>
      %dma_wait3A_10 = tpu.memref_slice %arg3[%mul3A_2] : memref<131072xi32, #tpu.memory_space<hbm>> -> memref<4096xi32, #tpu.memory_space<hbm>>
      tpu.wait_dma2 semaphore(%run_scoped3A : memref<!tpu.dma_semaphore, #tpu.memory_space<semaphore_mem>>) src(%dma_wait3A_10 : memref<4096xi32, #tpu.memory_space<hbm>>) dst(%arg5 : memref<4096xi32, #tpu.memory_space<vmem>>)
      tpu.yield
    }) : () -> ()
    %dma_start3A = arith.constant 0 : i32
    %dma_start3A_3 = arith.constant 0 : i32
    %dma_start3A_4 = tpu.memref_slice %arg2[%dma_start3A, %dma_start3A_3] : memref<8192x16xf32, #tpu.memory_space<hbm>> -> memref<8192x16xf32, #tpu.memory_space<hbm>>
    tpu.enqueue_indirect_dma source(%dma_start3A_4 : memref<8192x16xf32, #tpu.memory_space<hbm>>) target(%arg6 : memref<4096x16xf32, #tpu.memory_space<vmem>>) offsets(%arg5 : memref<4096xi32, #tpu.memory_space<vmem>>) semaphore(%arg7 : memref<!tpu.dma_semaphore, #tpu.memory_space<semaphore_mem>>)
    %dma_wait3A = arith.constant 0 : i32
    %dma_wait3A_5 = arith.constant 0 : i32
    %dma_wait3A_6 = tpu.memref_slice %arg2[%dma_wait3A, %dma_wait3A_5] : memref<8192x16xf32, #tpu.memory_space<hbm>> -> memref<8192x16xf32, #tpu.memory_space<hbm>>
    tpu.wait_indirect_dma semaphore(%arg7 : memref<!tpu.dma_semaphore, #tpu.memory_space<semaphore_mem>>) src(%dma_wait3A_6 : memref<8192x16xf32, #tpu.memory_space<hbm>>) dst(%arg6 : memref<4096x16xf32, #tpu.memory_space<vmem>>)
    "tpu.region"() ({
      %run_scoped3A = tpu.sem_alloc : memref<!tpu.dma_semaphore, #tpu.memory_space<semaphore_mem>>
      %dma_start3A_7 = arith.constant 0 : i32
      %dma_start3A_8 = tpu.memref_slice %arg4[%mul3A_2, %dma_start3A_7] : memref<131072x16xf32, #tpu.memory_space<hbm>> -> memref<4096x16xf32, #tpu.memory_space<hbm>>
      %dma_start3A_9 = arith.constant 0 : i32
      %dma_start3A_10 = tpu.memref_slice %arg4[%mul3A_2, %dma_start3A_9] : memref<131072x16xf32, #tpu.memory_space<hbm>> -> memref<4096x16xf32, #tpu.memory_space<hbm>>
      tpu.enqueue_dma source(%arg6 : memref<4096x16xf32, #tpu.memory_space<vmem>>) target(%dma_start3A_10 : memref<4096x16xf32, #tpu.memory_space<hbm>>) target_semaphore(%run_scoped3A : memref<!tpu.dma_semaphore, #tpu.memory_space<semaphore_mem>>)
      %dma_wait3A_11 = arith.constant 0 : i32
      %dma_wait3A_12 = tpu.memref_slice %arg4[%mul3A_2, %dma_wait3A_11] : memref<131072x16xf32, #tpu.memory_space<hbm>> -> memref<4096x16xf32, #tpu.memory_space<hbm>>
      %dma_wait3A_13 = arith.constant 0 : i32
      %dma_wait3A_14 = tpu.memref_slice %arg4[%mul3A_2, %dma_wait3A_13] : memref<131072x16xf32, #tpu.memory_space<hbm>> -> memref<4096x16xf32, #tpu.memory_space<hbm>>
      tpu.wait_dma2 semaphore(%run_scoped3A : memref<!tpu.dma_semaphore, #tpu.memory_space<semaphore_mem>>) src(%arg6 : memref<4096x16xf32, #tpu.memory_space<vmem>>) dst(%dma_wait3A_14 : memref<4096x16xf32, #tpu.memory_space<hbm>>)
      tpu.yield
    }) : () -> ()
    return
  }
}

module attributes {stable_mosaic.version = 14 : i64} {
  func.func @_topk_body(%arg0: i32, %arg1: memref<1x1024x8xf32, #tpu.memory_space<vmem>>, %arg2: memref<1x1024x16xi32, #tpu.memory_space<vmem>>) attributes {dimension_semantics = [#tpu.dimension_semantics<arbitrary>], iteration_bounds = array<i64: 8>, scalar_prefetch = 0 : i64, scratch_operands = 0 : i64, tpu.core_type = #tpu.core_type<tc>, window_params = [{transform_indices = @transform_0, window_bounds = array<i64: 1, 1024, 8>}, {transform_indices = @transform_1, window_bounds = array<i64: 1, 1024, 16>}]} {
    %get3A = arith.constant 0 : index
    %get3A_0 = arith.constant 0 : index
    %get3A_1 = arith.constant 0 : index
    %get3A_2 = vector.load %arg1[%get3A, %get3A_0, %get3A_1] : memref<1x1024x8xf32, #tpu.memory_space<vmem>>, vector<1x1024x8xf32>
    %get3A_3 = vector.shape_cast %get3A_2 : vector<1x1024x8xf32> to vector<1024x8xf32>
    %dot_general3A = arith.constant dense<0.000000e+00> : vector<1024x1024xf32>
    %dot_general3A_4 = tpu.matmul %get3A_3, %get3A_3, %dot_general3A {dimension_numbers = #tpu.dot_dimension_numbers<[1], [1], [0], [0], [0, 0, 1, 0], [], []>, transpose_lhs_hint = false} : vector<1024x8xf32>, vector<1024x8xf32>, vector<1024x1024xf32> -> vector<1024x1024xf32>
    %mul3A = arith.constant -2.000000e+00 : f32
    %mul3A_5 = vector.broadcast %mul3A : f32 to vector<1024x1024xf32>
    %mul3A_6 = arith.mulf %mul3A_5, %dot_general3A_4 : vector<1024x1024xf32>
    %mul3A_7 = arith.mulf %get3A_3, %get3A_3 : vector<1024x8xf32>
    %reduce_sum3A = arith.constant dense<0.000000e+00> : vector<1024xf32>
    %reduce_sum3A_8 = vector.multi_reduction <add>, %mul3A_7, %reduce_sum3A [1] : vector<1024x8xf32> to vector<1024xf32>
    %broadcast_in_dim3A = vector.shape_cast %reduce_sum3A_8 : vector<1024xf32> to vector<1024x1xf32>
    %broadcast_in_dim3A_9 = arith.constant 1.000000e+00 : f32
    %broadcast_in_dim3A_10 = vector.broadcast %broadcast_in_dim3A_9 : f32 to vector<1x8xf32>
    %dot_general3A_11 = arith.constant dense<0.000000e+00> : vector<1x1024xf32>
    %dot_general3A_12 = tpu.matmul %broadcast_in_dim3A_10, %mul3A_7, %dot_general3A_11 {dimension_numbers = #tpu.dot_dimension_numbers<[1], [1], [0], [0], [0, 0, 1, 0], [], []>, precision = #tpu.contract_precision<fp32>, transpose_lhs_hint = false} : vector<1x8xf32>, vector<1024x8xf32>, vector<1x1024xf32> -> vector<1x1024xf32>
    %neg3A = arith.constant 0.000000e+00 : f32
    %neg3A_13 = vector.broadcast %neg3A : f32 to vector<1024x1xf32>
    %neg3A_14 = arith.subf %neg3A_13, %broadcast_in_dim3A : vector<1024x1xf32>
    %sub3A = vector.broadcast %neg3A_14 : vector<1024x1xf32> to vector<1024x1024xf32>
    %sub3A_15 = arith.subf %sub3A, %mul3A_6 : vector<1024x1024xf32>
    %sub3A_16 = vector.broadcast %dot_general3A_12 : vector<1x1024xf32> to vector<1024x1024xf32>
    %sub3A_17 = arith.subf %sub3A_15, %sub3A_16 : vector<1024x1024xf32>
    %iota3A = tpu.iota {dimensions = array<i32: 1>} : vector<1024x1024xi32>
    %reduce_max3A = arith.constant dense<0xFF800000> : vector<1024xf32>
    %reduce_max3A_18 = vector.multi_reduction <maximumf>, %sub3A_17, %reduce_max3A [1] : vector<1024x1024xf32> to vector<1024xf32>
    %broadcast_in_dim3A_19 = vector.shape_cast %reduce_max3A_18 : vector<1024xf32> to vector<1024x1xf32>
    %eq3A = vector.broadcast %broadcast_in_dim3A_19 : vector<1024x1xf32> to vector<1024x1024xf32>
    %eq3A_20 = arith.cmpf oeq, %sub3A_17, %eq3A : vector<1024x1024xf32>
    %jit3A = arith.constant 1024 : i32
    %broadcast_in_dim3A_21 = vector.broadcast %jit3A : i32 to vector<1024x1024xi32>
    %select_n3A = arith.select %eq3A_20, %iota3A, %broadcast_in_dim3A_21 : vector<1024x1024xi1>, vector<1024x1024xi32>
    %reduce_min3A = arith.constant dense<2147483647> : vector<1024xi32>
    %reduce_min3A_22 = vector.multi_reduction <minsi>, %select_n3A, %reduce_min3A [1] : vector<1024x1024xi32> to vector<1024xi32>
    %broadcast_in_dim3A_23 = vector.shape_cast %reduce_min3A_22 : vector<1024xi32> to vector<1024x1xi32>
    %eq3A_24 = vector.broadcast %broadcast_in_dim3A_23 : vector<1024x1xi32> to vector<1024x1024xi32>
    %eq3A_25 = arith.cmpi eq, %iota3A, %eq3A_24 : vector<1024x1024xi32>
    %jit3A_26 = arith.constant 0xFF800000 : f32
    %broadcast_in_dim3A_27 = vector.broadcast %jit3A_26 : f32 to vector<1024x1024xf32>
    %select_n3A_28 = arith.select %eq3A_25, %broadcast_in_dim3A_27, %sub3A_17 : vector<1024x1024xi1>, vector<1024x1024xf32>
    %reduce_max3A_29 = arith.constant dense<0xFF800000> : vector<1024xf32>
    %reduce_max3A_30 = vector.multi_reduction <maximumf>, %select_n3A_28, %reduce_max3A_29 [1] : vector<1024x1024xf32> to vector<1024xf32>
    %broadcast_in_dim3A_31 = vector.shape_cast %reduce_max3A_30 : vector<1024xf32> to vector<1024x1xf32>
    %eq3A_32 = vector.broadcast %broadcast_in_dim3A_31 : vector<1024x1xf32> to vector<1024x1024xf32>
    %eq3A_33 = arith.cmpf oeq, %select_n3A_28, %eq3A_32 : vector<1024x1024xf32>
    %jit3A_34 = arith.constant 1024 : i32
    %broadcast_in_dim3A_35 = vector.broadcast %jit3A_34 : i32 to vector<1024x1024xi32>
    %select_n3A_36 = arith.select %eq3A_33, %iota3A, %broadcast_in_dim3A_35 : vector<1024x1024xi1>, vector<1024x1024xi32>
    %reduce_min3A_37 = arith.constant dense<2147483647> : vector<1024xi32>
    %reduce_min3A_38 = vector.multi_reduction <minsi>, %select_n3A_36, %reduce_min3A_37 [1] : vector<1024x1024xi32> to vector<1024xi32>
    %broadcast_in_dim3A_39 = vector.shape_cast %reduce_min3A_38 : vector<1024xi32> to vector<1024x1xi32>
    %eq3A_40 = vector.broadcast %broadcast_in_dim3A_39 : vector<1024x1xi32> to vector<1024x1024xi32>
    %eq3A_41 = arith.cmpi eq, %iota3A, %eq3A_40 : vector<1024x1024xi32>
    %jit3A_42 = arith.constant 0xFF800000 : f32
    %broadcast_in_dim3A_43 = vector.broadcast %jit3A_42 : f32 to vector<1024x1024xf32>
    %select_n3A_44 = arith.select %eq3A_41, %broadcast_in_dim3A_43, %select_n3A_28 : vector<1024x1024xi1>, vector<1024x1024xf32>
    %reduce_max3A_45 = arith.constant dense<0xFF800000> : vector<1024xf32>
    %reduce_max3A_46 = vector.multi_reduction <maximumf>, %select_n3A_44, %reduce_max3A_45 [1] : vector<1024x1024xf32> to vector<1024xf32>
    %broadcast_in_dim3A_47 = vector.shape_cast %reduce_max3A_46 : vector<1024xf32> to vector<1024x1xf32>
    %eq3A_48 = vector.broadcast %broadcast_in_dim3A_47 : vector<1024x1xf32> to vector<1024x1024xf32>
    %eq3A_49 = arith.cmpf oeq, %select_n3A_44, %eq3A_48 : vector<1024x1024xf32>
    %jit3A_50 = arith.constant 1024 : i32
    %broadcast_in_dim3A_51 = vector.broadcast %jit3A_50 : i32 to vector<1024x1024xi32>
    %select_n3A_52 = arith.select %eq3A_49, %iota3A, %broadcast_in_dim3A_51 : vector<1024x1024xi1>, vector<1024x1024xi32>
    %reduce_min3A_53 = arith.constant dense<2147483647> : vector<1024xi32>
    %reduce_min3A_54 = vector.multi_reduction <minsi>, %select_n3A_52, %reduce_min3A_53 [1] : vector<1024x1024xi32> to vector<1024xi32>
    %broadcast_in_dim3A_55 = vector.shape_cast %reduce_min3A_54 : vector<1024xi32> to vector<1024x1xi32>
    %eq3A_56 = vector.broadcast %broadcast_in_dim3A_55 : vector<1024x1xi32> to vector<1024x1024xi32>
    %eq3A_57 = arith.cmpi eq, %iota3A, %eq3A_56 : vector<1024x1024xi32>
    %jit3A_58 = arith.constant 0xFF800000 : f32
    %broadcast_in_dim3A_59 = vector.broadcast %jit3A_58 : f32 to vector<1024x1024xf32>
    %select_n3A_60 = arith.select %eq3A_57, %broadcast_in_dim3A_59, %select_n3A_44 : vector<1024x1024xi1>, vector<1024x1024xf32>
    %reduce_max3A_61 = arith.constant dense<0xFF800000> : vector<1024xf32>
    %reduce_max3A_62 = vector.multi_reduction <maximumf>, %select_n3A_60, %reduce_max3A_61 [1] : vector<1024x1024xf32> to vector<1024xf32>
    %broadcast_in_dim3A_63 = vector.shape_cast %reduce_max3A_62 : vector<1024xf32> to vector<1024x1xf32>
    %eq3A_64 = vector.broadcast %broadcast_in_dim3A_63 : vector<1024x1xf32> to vector<1024x1024xf32>
    %eq3A_65 = arith.cmpf oeq, %select_n3A_60, %eq3A_64 : vector<1024x1024xf32>
    %jit3A_66 = arith.constant 1024 : i32
    %broadcast_in_dim3A_67 = vector.broadcast %jit3A_66 : i32 to vector<1024x1024xi32>
    %select_n3A_68 = arith.select %eq3A_65, %iota3A, %broadcast_in_dim3A_67 : vector<1024x1024xi1>, vector<1024x1024xi32>
    %reduce_min3A_69 = arith.constant dense<2147483647> : vector<1024xi32>
    %reduce_min3A_70 = vector.multi_reduction <minsi>, %select_n3A_68, %reduce_min3A_69 [1] : vector<1024x1024xi32> to vector<1024xi32>
    %broadcast_in_dim3A_71 = vector.shape_cast %reduce_min3A_70 : vector<1024xi32> to vector<1024x1xi32>
    %eq3A_72 = vector.broadcast %broadcast_in_dim3A_71 : vector<1024x1xi32> to vector<1024x1024xi32>
    %eq3A_73 = arith.cmpi eq, %iota3A, %eq3A_72 : vector<1024x1024xi32>
    %jit3A_74 = arith.constant 0xFF800000 : f32
    %broadcast_in_dim3A_75 = vector.broadcast %jit3A_74 : f32 to vector<1024x1024xf32>
    %select_n3A_76 = arith.select %eq3A_73, %broadcast_in_dim3A_75, %select_n3A_60 : vector<1024x1024xi1>, vector<1024x1024xf32>
    %reduce_max3A_77 = arith.constant dense<0xFF800000> : vector<1024xf32>
    %reduce_max3A_78 = vector.multi_reduction <maximumf>, %select_n3A_76, %reduce_max3A_77 [1] : vector<1024x1024xf32> to vector<1024xf32>
    %broadcast_in_dim3A_79 = vector.shape_cast %reduce_max3A_78 : vector<1024xf32> to vector<1024x1xf32>
    %eq3A_80 = vector.broadcast %broadcast_in_dim3A_79 : vector<1024x1xf32> to vector<1024x1024xf32>
    %eq3A_81 = arith.cmpf oeq, %select_n3A_76, %eq3A_80 : vector<1024x1024xf32>
    %jit3A_82 = arith.constant 1024 : i32
    %broadcast_in_dim3A_83 = vector.broadcast %jit3A_82 : i32 to vector<1024x1024xi32>
    %select_n3A_84 = arith.select %eq3A_81, %iota3A, %broadcast_in_dim3A_83 : vector<1024x1024xi1>, vector<1024x1024xi32>
    %reduce_min3A_85 = arith.constant dense<2147483647> : vector<1024xi32>
    %reduce_min3A_86 = vector.multi_reduction <minsi>, %select_n3A_84, %reduce_min3A_85 [1] : vector<1024x1024xi32> to vector<1024xi32>
    %broadcast_in_dim3A_87 = vector.shape_cast %reduce_min3A_86 : vector<1024xi32> to vector<1024x1xi32>
    %eq3A_88 = vector.broadcast %broadcast_in_dim3A_87 : vector<1024x1xi32> to vector<1024x1024xi32>
    %eq3A_89 = arith.cmpi eq, %iota3A, %eq3A_88 : vector<1024x1024xi32>
    %jit3A_90 = arith.constant 0xFF800000 : f32
    %broadcast_in_dim3A_91 = vector.broadcast %jit3A_90 : f32 to vector<1024x1024xf32>
    %select_n3A_92 = arith.select %eq3A_89, %broadcast_in_dim3A_91, %select_n3A_76 : vector<1024x1024xi1>, vector<1024x1024xf32>
    %reduce_max3A_93 = arith.constant dense<0xFF800000> : vector<1024xf32>
    %reduce_max3A_94 = vector.multi_reduction <maximumf>, %select_n3A_92, %reduce_max3A_93 [1] : vector<1024x1024xf32> to vector<1024xf32>
    %broadcast_in_dim3A_95 = vector.shape_cast %reduce_max3A_94 : vector<1024xf32> to vector<1024x1xf32>
    %eq3A_96 = vector.broadcast %broadcast_in_dim3A_95 : vector<1024x1xf32> to vector<1024x1024xf32>
    %eq3A_97 = arith.cmpf oeq, %select_n3A_92, %eq3A_96 : vector<1024x1024xf32>
    %jit3A_98 = arith.constant 1024 : i32
    %broadcast_in_dim3A_99 = vector.broadcast %jit3A_98 : i32 to vector<1024x1024xi32>
    %select_n3A_100 = arith.select %eq3A_97, %iota3A, %broadcast_in_dim3A_99 : vector<1024x1024xi1>, vector<1024x1024xi32>
    %reduce_min3A_101 = arith.constant dense<2147483647> : vector<1024xi32>
    %reduce_min3A_102 = vector.multi_reduction <minsi>, %select_n3A_100, %reduce_min3A_101 [1] : vector<1024x1024xi32> to vector<1024xi32>
    %broadcast_in_dim3A_103 = vector.shape_cast %reduce_min3A_102 : vector<1024xi32> to vector<1024x1xi32>
    %eq3A_104 = vector.broadcast %broadcast_in_dim3A_103 : vector<1024x1xi32> to vector<1024x1024xi32>
    %eq3A_105 = arith.cmpi eq, %iota3A, %eq3A_104 : vector<1024x1024xi32>
    %jit3A_106 = arith.constant 0xFF800000 : f32
    %broadcast_in_dim3A_107 = vector.broadcast %jit3A_106 : f32 to vector<1024x1024xf32>
    %select_n3A_108 = arith.select %eq3A_105, %broadcast_in_dim3A_107, %select_n3A_92 : vector<1024x1024xi1>, vector<1024x1024xf32>
    %reduce_max3A_109 = arith.constant dense<0xFF800000> : vector<1024xf32>
    %reduce_max3A_110 = vector.multi_reduction <maximumf>, %select_n3A_108, %reduce_max3A_109 [1] : vector<1024x1024xf32> to vector<1024xf32>
    %broadcast_in_dim3A_111 = vector.shape_cast %reduce_max3A_110 : vector<1024xf32> to vector<1024x1xf32>
    %eq3A_112 = vector.broadcast %broadcast_in_dim3A_111 : vector<1024x1xf32> to vector<1024x1024xf32>
    %eq3A_113 = arith.cmpf oeq, %select_n3A_108, %eq3A_112 : vector<1024x1024xf32>
    %jit3A_114 = arith.constant 1024 : i32
    %broadcast_in_dim3A_115 = vector.broadcast %jit3A_114 : i32 to vector<1024x1024xi32>
    %select_n3A_116 = arith.select %eq3A_113, %iota3A, %broadcast_in_dim3A_115 : vector<1024x1024xi1>, vector<1024x1024xi32>
    %reduce_min3A_117 = arith.constant dense<2147483647> : vector<1024xi32>
    %reduce_min3A_118 = vector.multi_reduction <minsi>, %select_n3A_116, %reduce_min3A_117 [1] : vector<1024x1024xi32> to vector<1024xi32>
    %broadcast_in_dim3A_119 = vector.shape_cast %reduce_min3A_118 : vector<1024xi32> to vector<1024x1xi32>
    %eq3A_120 = vector.broadcast %broadcast_in_dim3A_119 : vector<1024x1xi32> to vector<1024x1024xi32>
    %eq3A_121 = arith.cmpi eq, %iota3A, %eq3A_120 : vector<1024x1024xi32>
    %jit3A_122 = arith.constant 0xFF800000 : f32
    %broadcast_in_dim3A_123 = vector.broadcast %jit3A_122 : f32 to vector<1024x1024xf32>
    %select_n3A_124 = arith.select %eq3A_121, %broadcast_in_dim3A_123, %select_n3A_108 : vector<1024x1024xi1>, vector<1024x1024xf32>
    %reduce_max3A_125 = arith.constant dense<0xFF800000> : vector<1024xf32>
    %reduce_max3A_126 = vector.multi_reduction <maximumf>, %select_n3A_124, %reduce_max3A_125 [1] : vector<1024x1024xf32> to vector<1024xf32>
    %broadcast_in_dim3A_127 = vector.shape_cast %reduce_max3A_126 : vector<1024xf32> to vector<1024x1xf32>
    %eq3A_128 = vector.broadcast %broadcast_in_dim3A_127 : vector<1024x1xf32> to vector<1024x1024xf32>
    %eq3A_129 = arith.cmpf oeq, %select_n3A_124, %eq3A_128 : vector<1024x1024xf32>
    %jit3A_130 = arith.constant 1024 : i32
    %broadcast_in_dim3A_131 = vector.broadcast %jit3A_130 : i32 to vector<1024x1024xi32>
    %select_n3A_132 = arith.select %eq3A_129, %iota3A, %broadcast_in_dim3A_131 : vector<1024x1024xi1>, vector<1024x1024xi32>
    %reduce_min3A_133 = arith.constant dense<2147483647> : vector<1024xi32>
    %reduce_min3A_134 = vector.multi_reduction <minsi>, %select_n3A_132, %reduce_min3A_133 [1] : vector<1024x1024xi32> to vector<1024xi32>
    %broadcast_in_dim3A_135 = vector.shape_cast %reduce_min3A_134 : vector<1024xi32> to vector<1024x1xi32>
    %eq3A_136 = vector.broadcast %broadcast_in_dim3A_135 : vector<1024x1xi32> to vector<1024x1024xi32>
    %eq3A_137 = arith.cmpi eq, %iota3A, %eq3A_136 : vector<1024x1024xi32>
    %jit3A_138 = arith.constant 0xFF800000 : f32
    %broadcast_in_dim3A_139 = vector.broadcast %jit3A_138 : f32 to vector<1024x1024xf32>
    %select_n3A_140 = arith.select %eq3A_137, %broadcast_in_dim3A_139, %select_n3A_124 : vector<1024x1024xi1>, vector<1024x1024xf32>
    %reduce_max3A_141 = arith.constant dense<0xFF800000> : vector<1024xf32>
    %reduce_max3A_142 = vector.multi_reduction <maximumf>, %select_n3A_140, %reduce_max3A_141 [1] : vector<1024x1024xf32> to vector<1024xf32>
    %broadcast_in_dim3A_143 = vector.shape_cast %reduce_max3A_142 : vector<1024xf32> to vector<1024x1xf32>
    %eq3A_144 = vector.broadcast %broadcast_in_dim3A_143 : vector<1024x1xf32> to vector<1024x1024xf32>
    %eq3A_145 = arith.cmpf oeq, %select_n3A_140, %eq3A_144 : vector<1024x1024xf32>
    %jit3A_146 = arith.constant 1024 : i32
    %broadcast_in_dim3A_147 = vector.broadcast %jit3A_146 : i32 to vector<1024x1024xi32>
    %select_n3A_148 = arith.select %eq3A_145, %iota3A, %broadcast_in_dim3A_147 : vector<1024x1024xi1>, vector<1024x1024xi32>
    %reduce_min3A_149 = arith.constant dense<2147483647> : vector<1024xi32>
    %reduce_min3A_150 = vector.multi_reduction <minsi>, %select_n3A_148, %reduce_min3A_149 [1] : vector<1024x1024xi32> to vector<1024xi32>
    %broadcast_in_dim3A_151 = vector.shape_cast %reduce_min3A_150 : vector<1024xi32> to vector<1024x1xi32>
    %eq3A_152 = vector.broadcast %broadcast_in_dim3A_151 : vector<1024x1xi32> to vector<1024x1024xi32>
    %eq3A_153 = arith.cmpi eq, %iota3A, %eq3A_152 : vector<1024x1024xi32>
    %jit3A_154 = arith.constant 0xFF800000 : f32
    %broadcast_in_dim3A_155 = vector.broadcast %jit3A_154 : f32 to vector<1024x1024xf32>
    %select_n3A_156 = arith.select %eq3A_153, %broadcast_in_dim3A_155, %select_n3A_140 : vector<1024x1024xi1>, vector<1024x1024xf32>
    %reduce_max3A_157 = arith.constant dense<0xFF800000> : vector<1024xf32>
    %reduce_max3A_158 = vector.multi_reduction <maximumf>, %select_n3A_156, %reduce_max3A_157 [1] : vector<1024x1024xf32> to vector<1024xf32>
    %broadcast_in_dim3A_159 = vector.shape_cast %reduce_max3A_158 : vector<1024xf32> to vector<1024x1xf32>
    %eq3A_160 = vector.broadcast %broadcast_in_dim3A_159 : vector<1024x1xf32> to vector<1024x1024xf32>
    %eq3A_161 = arith.cmpf oeq, %select_n3A_156, %eq3A_160 : vector<1024x1024xf32>
    %jit3A_162 = arith.constant 1024 : i32
    %broadcast_in_dim3A_163 = vector.broadcast %jit3A_162 : i32 to vector<1024x1024xi32>
    %select_n3A_164 = arith.select %eq3A_161, %iota3A, %broadcast_in_dim3A_163 : vector<1024x1024xi1>, vector<1024x1024xi32>
    %reduce_min3A_165 = arith.constant dense<2147483647> : vector<1024xi32>
    %reduce_min3A_166 = vector.multi_reduction <minsi>, %select_n3A_164, %reduce_min3A_165 [1] : vector<1024x1024xi32> to vector<1024xi32>
    %broadcast_in_dim3A_167 = vector.shape_cast %reduce_min3A_166 : vector<1024xi32> to vector<1024x1xi32>
    %eq3A_168 = vector.broadcast %broadcast_in_dim3A_167 : vector<1024x1xi32> to vector<1024x1024xi32>
    %eq3A_169 = arith.cmpi eq, %iota3A, %eq3A_168 : vector<1024x1024xi32>
    %jit3A_170 = arith.constant 0xFF800000 : f32
    %broadcast_in_dim3A_171 = vector.broadcast %jit3A_170 : f32 to vector<1024x1024xf32>
    %select_n3A_172 = arith.select %eq3A_169, %broadcast_in_dim3A_171, %select_n3A_156 : vector<1024x1024xi1>, vector<1024x1024xf32>
    %reduce_max3A_173 = arith.constant dense<0xFF800000> : vector<1024xf32>
    %reduce_max3A_174 = vector.multi_reduction <maximumf>, %select_n3A_172, %reduce_max3A_173 [1] : vector<1024x1024xf32> to vector<1024xf32>
    %broadcast_in_dim3A_175 = vector.shape_cast %reduce_max3A_174 : vector<1024xf32> to vector<1024x1xf32>
    %eq3A_176 = vector.broadcast %broadcast_in_dim3A_175 : vector<1024x1xf32> to vector<1024x1024xf32>
    %eq3A_177 = arith.cmpf oeq, %select_n3A_172, %eq3A_176 : vector<1024x1024xf32>
    %jit3A_178 = arith.constant 1024 : i32
    %broadcast_in_dim3A_179 = vector.broadcast %jit3A_178 : i32 to vector<1024x1024xi32>
    %select_n3A_180 = arith.select %eq3A_177, %iota3A, %broadcast_in_dim3A_179 : vector<1024x1024xi1>, vector<1024x1024xi32>
    %reduce_min3A_181 = arith.constant dense<2147483647> : vector<1024xi32>
    %reduce_min3A_182 = vector.multi_reduction <minsi>, %select_n3A_180, %reduce_min3A_181 [1] : vector<1024x1024xi32> to vector<1024xi32>
    %broadcast_in_dim3A_183 = vector.shape_cast %reduce_min3A_182 : vector<1024xi32> to vector<1024x1xi32>
    %eq3A_184 = vector.broadcast %broadcast_in_dim3A_183 : vector<1024x1xi32> to vector<1024x1024xi32>
    %eq3A_185 = arith.cmpi eq, %iota3A, %eq3A_184 : vector<1024x1024xi32>
    %jit3A_186 = arith.constant 0xFF800000 : f32
    %broadcast_in_dim3A_187 = vector.broadcast %jit3A_186 : f32 to vector<1024x1024xf32>
    %select_n3A_188 = arith.select %eq3A_185, %broadcast_in_dim3A_187, %select_n3A_172 : vector<1024x1024xi1>, vector<1024x1024xf32>
    %reduce_max3A_189 = arith.constant dense<0xFF800000> : vector<1024xf32>
    %reduce_max3A_190 = vector.multi_reduction <maximumf>, %select_n3A_188, %reduce_max3A_189 [1] : vector<1024x1024xf32> to vector<1024xf32>
    %broadcast_in_dim3A_191 = vector.shape_cast %reduce_max3A_190 : vector<1024xf32> to vector<1024x1xf32>
    %eq3A_192 = vector.broadcast %broadcast_in_dim3A_191 : vector<1024x1xf32> to vector<1024x1024xf32>
    %eq3A_193 = arith.cmpf oeq, %select_n3A_188, %eq3A_192 : vector<1024x1024xf32>
    %jit3A_194 = arith.constant 1024 : i32
    %broadcast_in_dim3A_195 = vector.broadcast %jit3A_194 : i32 to vector<1024x1024xi32>
    %select_n3A_196 = arith.select %eq3A_193, %iota3A, %broadcast_in_dim3A_195 : vector<1024x1024xi1>, vector<1024x1024xi32>
    %reduce_min3A_197 = arith.constant dense<2147483647> : vector<1024xi32>
    %reduce_min3A_198 = vector.multi_reduction <minsi>, %select_n3A_196, %reduce_min3A_197 [1] : vector<1024x1024xi32> to vector<1024xi32>
    %broadcast_in_dim3A_199 = vector.shape_cast %reduce_min3A_198 : vector<1024xi32> to vector<1024x1xi32>
    %eq3A_200 = vector.broadcast %broadcast_in_dim3A_199 : vector<1024x1xi32> to vector<1024x1024xi32>
    %eq3A_201 = arith.cmpi eq, %iota3A, %eq3A_200 : vector<1024x1024xi32>
    %jit3A_202 = arith.constant 0xFF800000 : f32
    %broadcast_in_dim3A_203 = vector.broadcast %jit3A_202 : f32 to vector<1024x1024xf32>
    %select_n3A_204 = arith.select %eq3A_201, %broadcast_in_dim3A_203, %select_n3A_188 : vector<1024x1024xi1>, vector<1024x1024xf32>
    %reduce_max3A_205 = arith.constant dense<0xFF800000> : vector<1024xf32>
    %reduce_max3A_206 = vector.multi_reduction <maximumf>, %select_n3A_204, %reduce_max3A_205 [1] : vector<1024x1024xf32> to vector<1024xf32>
    %broadcast_in_dim3A_207 = vector.shape_cast %reduce_max3A_206 : vector<1024xf32> to vector<1024x1xf32>
    %eq3A_208 = vector.broadcast %broadcast_in_dim3A_207 : vector<1024x1xf32> to vector<1024x1024xf32>
    %eq3A_209 = arith.cmpf oeq, %select_n3A_204, %eq3A_208 : vector<1024x1024xf32>
    %jit3A_210 = arith.constant 1024 : i32
    %broadcast_in_dim3A_211 = vector.broadcast %jit3A_210 : i32 to vector<1024x1024xi32>
    %select_n3A_212 = arith.select %eq3A_209, %iota3A, %broadcast_in_dim3A_211 : vector<1024x1024xi1>, vector<1024x1024xi32>
    %reduce_min3A_213 = arith.constant dense<2147483647> : vector<1024xi32>
    %reduce_min3A_214 = vector.multi_reduction <minsi>, %select_n3A_212, %reduce_min3A_213 [1] : vector<1024x1024xi32> to vector<1024xi32>
    %broadcast_in_dim3A_215 = vector.shape_cast %reduce_min3A_214 : vector<1024xi32> to vector<1024x1xi32>
    %eq3A_216 = vector.broadcast %broadcast_in_dim3A_215 : vector<1024x1xi32> to vector<1024x1024xi32>
    %eq3A_217 = arith.cmpi eq, %iota3A, %eq3A_216 : vector<1024x1024xi32>
    %jit3A_218 = arith.constant 0xFF800000 : f32
    %broadcast_in_dim3A_219 = vector.broadcast %jit3A_218 : f32 to vector<1024x1024xf32>
    %select_n3A_220 = arith.select %eq3A_217, %broadcast_in_dim3A_219, %select_n3A_204 : vector<1024x1024xi1>, vector<1024x1024xf32>
    %reduce_max3A_221 = arith.constant dense<0xFF800000> : vector<1024xf32>
    %reduce_max3A_222 = vector.multi_reduction <maximumf>, %select_n3A_220, %reduce_max3A_221 [1] : vector<1024x1024xf32> to vector<1024xf32>
    %broadcast_in_dim3A_223 = vector.shape_cast %reduce_max3A_222 : vector<1024xf32> to vector<1024x1xf32>
    %eq3A_224 = vector.broadcast %broadcast_in_dim3A_223 : vector<1024x1xf32> to vector<1024x1024xf32>
    %eq3A_225 = arith.cmpf oeq, %select_n3A_220, %eq3A_224 : vector<1024x1024xf32>
    %jit3A_226 = arith.constant 1024 : i32
    %broadcast_in_dim3A_227 = vector.broadcast %jit3A_226 : i32 to vector<1024x1024xi32>
    %select_n3A_228 = arith.select %eq3A_225, %iota3A, %broadcast_in_dim3A_227 : vector<1024x1024xi1>, vector<1024x1024xi32>
    %reduce_min3A_229 = arith.constant dense<2147483647> : vector<1024xi32>
    %reduce_min3A_230 = vector.multi_reduction <minsi>, %select_n3A_228, %reduce_min3A_229 [1] : vector<1024x1024xi32> to vector<1024xi32>
    %broadcast_in_dim3A_231 = vector.shape_cast %reduce_min3A_230 : vector<1024xi32> to vector<1024x1xi32>
    %eq3A_232 = vector.broadcast %broadcast_in_dim3A_231 : vector<1024x1xi32> to vector<1024x1024xi32>
    %eq3A_233 = arith.cmpi eq, %iota3A, %eq3A_232 : vector<1024x1024xi32>
    %jit3A_234 = arith.constant 0xFF800000 : f32
    %broadcast_in_dim3A_235 = vector.broadcast %jit3A_234 : f32 to vector<1024x1024xf32>
    %select_n3A_236 = arith.select %eq3A_233, %broadcast_in_dim3A_235, %select_n3A_220 : vector<1024x1024xi1>, vector<1024x1024xf32>
    %reduce_max3A_237 = arith.constant dense<0xFF800000> : vector<1024xf32>
    %reduce_max3A_238 = vector.multi_reduction <maximumf>, %select_n3A_236, %reduce_max3A_237 [1] : vector<1024x1024xf32> to vector<1024xf32>
    %broadcast_in_dim3A_239 = vector.shape_cast %reduce_max3A_238 : vector<1024xf32> to vector<1024x1xf32>
    %eq3A_240 = vector.broadcast %broadcast_in_dim3A_239 : vector<1024x1xf32> to vector<1024x1024xf32>
    %eq3A_241 = arith.cmpf oeq, %select_n3A_236, %eq3A_240 : vector<1024x1024xf32>
    %jit3A_242 = arith.constant 1024 : i32
    %broadcast_in_dim3A_243 = vector.broadcast %jit3A_242 : i32 to vector<1024x1024xi32>
    %select_n3A_244 = arith.select %eq3A_241, %iota3A, %broadcast_in_dim3A_243 : vector<1024x1024xi1>, vector<1024x1024xi32>
    %reduce_min3A_245 = arith.constant dense<2147483647> : vector<1024xi32>
    %reduce_min3A_246 = vector.multi_reduction <minsi>, %select_n3A_244, %reduce_min3A_245 [1] : vector<1024x1024xi32> to vector<1024xi32>
    %broadcast_in_dim3A_247 = vector.shape_cast %reduce_min3A_246 : vector<1024xi32> to vector<1024x1xi32>
    %eq3A_248 = vector.broadcast %broadcast_in_dim3A_247 : vector<1024x1xi32> to vector<1024x1024xi32>
    %eq3A_249 = arith.cmpi eq, %iota3A, %eq3A_248 : vector<1024x1024xi32>
    %jit3A_250 = arith.constant 0xFF800000 : f32
    %broadcast_in_dim3A_251 = vector.broadcast %jit3A_250 : f32 to vector<1024x1024xf32>
    %select_n3A_252 = arith.select %eq3A_249, %broadcast_in_dim3A_251, %select_n3A_236 : vector<1024x1024xi1>, vector<1024x1024xf32>
    %reduce_max3A_253 = arith.constant dense<0xFF800000> : vector<1024xf32>
    %reduce_max3A_254 = vector.multi_reduction <maximumf>, %select_n3A_252, %reduce_max3A_253 [1] : vector<1024x1024xf32> to vector<1024xf32>
    %broadcast_in_dim3A_255 = vector.shape_cast %reduce_max3A_254 : vector<1024xf32> to vector<1024x1xf32>
    %eq3A_256 = vector.broadcast %broadcast_in_dim3A_255 : vector<1024x1xf32> to vector<1024x1024xf32>
    %eq3A_257 = arith.cmpf oeq, %select_n3A_252, %eq3A_256 : vector<1024x1024xf32>
    %jit3A_258 = arith.constant 1024 : i32
    %broadcast_in_dim3A_259 = vector.broadcast %jit3A_258 : i32 to vector<1024x1024xi32>
    %select_n3A_260 = arith.select %eq3A_257, %iota3A, %broadcast_in_dim3A_259 : vector<1024x1024xi1>, vector<1024x1024xi32>
    %reduce_min3A_261 = arith.constant dense<2147483647> : vector<1024xi32>
    %reduce_min3A_262 = vector.multi_reduction <minsi>, %select_n3A_260, %reduce_min3A_261 [1] : vector<1024x1024xi32> to vector<1024xi32>
    %broadcast_in_dim3A_263 = vector.shape_cast %reduce_min3A_262 : vector<1024xi32> to vector<1024x1xi32>
    %concatenate3A = tpu.concatenate %broadcast_in_dim3A_23, %broadcast_in_dim3A_39, %broadcast_in_dim3A_55, %broadcast_in_dim3A_71, %broadcast_in_dim3A_87, %broadcast_in_dim3A_103, %broadcast_in_dim3A_119, %broadcast_in_dim3A_135, %broadcast_in_dim3A_151, %broadcast_in_dim3A_167, %broadcast_in_dim3A_183, %broadcast_in_dim3A_199, %broadcast_in_dim3A_215, %broadcast_in_dim3A_231, %broadcast_in_dim3A_247, %broadcast_in_dim3A_263 in 1 : vector<1024x1xi32>, vector<1024x1xi32>, vector<1024x1xi32>, vector<1024x1xi32>, vector<1024x1xi32>, vector<1024x1xi32>, vector<1024x1xi32>, vector<1024x1xi32>, vector<1024x1xi32>, vector<1024x1xi32>, vector<1024x1xi32>, vector<1024x1xi32>, vector<1024x1xi32>, vector<1024x1xi32>, vector<1024x1xi32>, vector<1024x1xi32> -> vector<1024x16xi32>
    %swap3A = arith.constant 0 : index
    %swap3A_264 = arith.constant 0 : index
    %swap3A_265 = arith.constant 0 : index
    %swap3A_266 = vector.load %arg2[%swap3A, %swap3A_264, %swap3A_265] : memref<1x1024x16xi32, #tpu.memory_space<vmem>>, vector<1x1024x16xi32>
    %swap3A_267 = vector.shape_cast %swap3A_266 : vector<1x1024x16xi32> to vector<1024x16xi32>
    %swap3A_268 = vector.shape_cast %concatenate3A : vector<1024x16xi32> to vector<1x1024x16xi32>
    tpu.vector_store %arg2[%swap3A, %swap3A_264, %swap3A_265], %swap3A_268 {strides = array<i32>} : memref<1x1024x16xi32, #tpu.memory_space<vmem>>, vector<1x1024x16xi32>,
    return
  }
  func.func @transform_0(%arg0: i32) -> (i32, i32, i32) {
    %c0_i32 = arith.constant 0 : i32
    %c0_i32_0 = arith.constant 0 : i32
    %c0_i32_1 = arith.constant 0 : i32
    return %arg0, %c0_i32, %c0_i32_0 : i32, i32, i32
  }
  func.func @transform_1(%arg0: i32) -> (i32, i32, i32) {
    %c0_i32 = arith.constant 0 : i32
    %c0_i32_0 = arith.constant 0 : i32
    %c0_i32_1 = arith.constant 0 : i32
    return %arg0, %c0_i32, %c0_i32_0 : i32, i32, i32
  }
}

module attributes {stable_mosaic.version = 14 : i64} {
  func.func @_chain_body(%arg0: i32, %arg1: i32, %arg2: i32, %arg3: memref<4096x16xf32, #tpu.memory_space<vmem>>, %arg4: memref<1x1x4096xf32, #tpu.memory_space<vmem>>, %arg5: memref<64x16xf32, #tpu.memory_space<vmem>>, %arg6: memref<64x64xf32, #tpu.memory_space<vmem>>, %arg7: memref<128x64xf32, #tpu.memory_space<vmem>>, %arg8: memref<256x128xf32, #tpu.memory_space<vmem>>, %arg9: memref<64x1xf32, #tpu.memory_space<vmem>>, %arg10: memref<64x1xf32, #tpu.memory_space<vmem>>, %arg11: memref<64x1xf32, #tpu.memory_space<vmem>>, %arg12: memref<64x1xf32, #tpu.memory_space<vmem>>, %arg13: memref<128x1xf32, #tpu.memory_space<vmem>>, %arg14: memref<128x1xf32, #tpu.memory_space<vmem>>, %arg15: memref<256x1xf32, #tpu.memory_space<vmem>>, %arg16: memref<256x1xf32, #tpu.memory_space<vmem>>, %arg17: memref<64x4096xf32, #tpu.memory_space<vmem>>, %arg18: memref<64x4096xf32, #tpu.memory_space<vmem>>, %arg19: memref<128x4096xf32, #tpu.memory_space<vmem>>, %arg20: memref<256x4096xf32, #tpu.memory_space<vmem>>, %arg21: memref<64x128xf32, #tpu.memory_space<vmem>>, %arg22: memref<64x128xf32, #tpu.memory_space<vmem>>, %arg23: memref<64x128xf32, #tpu.memory_space<vmem>>, %arg24: memref<64x128xf32, #tpu.memory_space<vmem>>, %arg25: memref<128x128xf32, #tpu.memory_space<vmem>>, %arg26: memref<128x128xf32, #tpu.memory_space<vmem>>, %arg27: memref<256x128xf32, #tpu.memory_space<vmem>>, %arg28: memref<256x128xf32, #tpu.memory_space<vmem>>, %arg29: memref<64x128xf32, #tpu.memory_space<vmem>>, %arg30: memref<64x128xf32, #tpu.memory_space<vmem>>, %arg31: memref<128x128xf32, #tpu.memory_space<vmem>>, %arg32: memref<256x128xf32, #tpu.memory_space<vmem>>) attributes {dimension_semantics = [#tpu.dimension_semantics<arbitrary>, #tpu.dimension_semantics<arbitrary>, #tpu.dimension_semantics<arbitrary>], iteration_bounds = array<i64: 5, 2, 16>, scalar_prefetch = 0 : i64, scratch_operands = 12 : i64, tpu.core_type = #tpu.core_type<tc>, window_params = [{transform_indices = @transform_0, window_bounds = array<i64: 4096, 16>}, {transform_indices = @transform_1, window_bounds = array<i64: 1, 1, 4096>}, {pipeline_mode = #tpu.pipeline_mode<synchronous>, transform_indices = @transform_2, window_bounds = array<i64: 64, 16>}, {pipeline_mode = #tpu.pipeline_mode<synchronous>, transform_indices = @transform_3, window_bounds = array<i64: 64, 64>}, {pipeline_mode = #tpu.pipeline_mode<synchronous>, transform_indices = @transform_4, window_bounds = array<i64: 128, 64>}, {pipeline_mode = #tpu.pipeline_mode<synchronous>, transform_indices = @transform_5, window_bounds = array<i64: 256, 128>}, {pipeline_mode = #tpu.pipeline_mode<synchronous>, transform_indices = @transform_6, window_bounds = array<i64: 64, 1>}, {pipeline_mode = #tpu.pipeline_mode<synchronous>, transform_indices = @transform_7, window_bounds = array<i64: 64, 1>}, {pipeline_mode = #tpu.pipeline_mode<synchronous>, transform_indices = @transform_8, window_bounds = array<i64: 64, 1>}, {pipeline_mode = #tpu.pipeline_mode<synchronous>, transform_indices = @transform_9, window_bounds = array<i64: 64, 1>}, {pipeline_mode = #tpu.pipeline_mode<synchronous>, transform_indices = @transform_10, window_bounds = array<i64: 128, 1>}, {pipeline_mode = #tpu.pipeline_mode<synchronous>, transform_indices = @transform_11, window_bounds = array<i64: 128, 1>}, {pipeline_mode = #tpu.pipeline_mode<synchronous>, transform_indices = @transform_12, window_bounds = array<i64: 256, 1>}, {pipeline_mode = #tpu.pipeline_mode<synchronous>, transform_indices = @transform_13, window_bounds = array<i64: 256, 1>}, {transform_indices = @transform_14, window_bounds = array<i64: 64, 4096>}, {transform_indices = @transform_15, window_bounds = array<i64: 64, 4096>}, {transform_indices = @transform_16, window_bounds = array<i64: 128, 4096>}, {transform_indices = @transform_17, window_bounds = array<i64: 256, 4096>}]} {
    %get3A = arith.constant 0 : index
    %get3A_0 = arith.constant 0 : index
    %get3A_1 = arith.constant 0 : index
    %get3A_2 = vector.load %arg4[%get3A, %get3A_0, %get3A_1] : memref<1x1x4096xf32, #tpu.memory_space<vmem>>, vector<1x1x4096xf32>
    %get3A_3 = vector.shape_cast %get3A_2 : vector<1x1x4096xf32> to vector<1x4096xf32>
    %broadcast_in_dim3A = arith.constant 1.000000e+00 : f32
    %broadcast_in_dim3A_4 = vector.broadcast %broadcast_in_dim3A : f32 to vector<4096x1xf32>
    %eq3A = arith.constant 0 : i32
    %eq3A_5 = arith.cmpi eq, %arg0, %eq3A : i32
    %eq3A_6 = arith.constant 0 : i32
    %eq3A_7 = arith.cmpi eq, %arg1, %eq3A_6 : i32
    %and3A = arith.andi %eq3A_5, %eq3A_7 : i1
    %eq3A_8 = arith.constant 0 : i32
    %eq3A_9 = arith.cmpi eq, %arg2, %eq3A_8 : i32
    %and3A_10 = arith.andi %and3A, %eq3A_9 : i1
    %convert_element_type3A = arith.extui %and3A_10 : i1 to i32
    %cond3A = arith.constant 0 : i32
    %cond3A_11 = arith.cmpi ne, %convert_element_type3A, %cond3A : i32
    scf.if %cond3A_11 {
      %broadcast_in_dim3A_73 = arith.constant 0.000000e+00 : f32
      %broadcast_in_dim3A_74 = vector.broadcast %broadcast_in_dim3A_73 : f32 to vector<64x128xf32>
      %swap3A = arith.constant 0 : index
      %swap3A_75 = arith.constant 0 : index
      %swap3A_76 = vector.load %arg21[%swap3A, %swap3A_75] : memref<64x128xf32, #tpu.memory_space<vmem>>, vector<64x128xf32>
      tpu.vector_store %arg21[%swap3A, %swap3A_75], %broadcast_in_dim3A_74 {strides = array<i32>} : memref<64x128xf32, #tpu.memory_space<vmem>>, vector<64x128xf32>,
      %broadcast_in_dim3A_77 = arith.constant 0.000000e+00 : f32
      %broadcast_in_dim3A_78 = vector.broadcast %broadcast_in_dim3A_77 : f32 to vector<64x128xf32>
      %swap3A_79 = arith.constant 0 : index
      %swap3A_80 = arith.constant 0 : index
      %swap3A_81 = vector.load %arg22[%swap3A_79, %swap3A_80] : memref<64x128xf32, #tpu.memory_space<vmem>>, vector<64x128xf32>
      tpu.vector_store %arg22[%swap3A_79, %swap3A_80], %broadcast_in_dim3A_78 {strides = array<i32>} : memref<64x128xf32, #tpu.memory_space<vmem>>, vector<64x128xf32>,
      %broadcast_in_dim3A_82 = arith.constant 0.000000e+00 : f32
      %broadcast_in_dim3A_83 = vector.broadcast %broadcast_in_dim3A_82 : f32 to vector<64x128xf32>
      %swap3A_84 = arith.constant 0 : index
      %swap3A_85 = arith.constant 0 : index
      %swap3A_86 = vector.load %arg23[%swap3A_84, %swap3A_85] : memref<64x128xf32, #tpu.memory_space<vmem>>, vector<64x128xf32>
      tpu.vector_store %arg23[%swap3A_84, %swap3A_85], %broadcast_in_dim3A_83 {strides = array<i32>} : memref<64x128xf32, #tpu.memory_space<vmem>>, vector<64x128xf32>,
      %broadcast_in_dim3A_87 = arith.constant 0.000000e+00 : f32
      %broadcast_in_dim3A_88 = vector.broadcast %broadcast_in_dim3A_87 : f32 to vector<64x128xf32>
      %swap3A_89 = arith.constant 0 : index
      %swap3A_90 = arith.constant 0 : index
      %swap3A_91 = vector.load %arg24[%swap3A_89, %swap3A_90] : memref<64x128xf32, #tpu.memory_space<vmem>>, vector<64x128xf32>
      tpu.vector_store %arg24[%swap3A_89, %swap3A_90], %broadcast_in_dim3A_88 {strides = array<i32>} : memref<64x128xf32, #tpu.memory_space<vmem>>, vector<64x128xf32>,
      %broadcast_in_dim3A_92 = arith.constant 0.000000e+00 : f32
      %broadcast_in_dim3A_93 = vector.broadcast %broadcast_in_dim3A_92 : f32 to vector<128x128xf32>
      %swap3A_94 = arith.constant 0 : index
      %swap3A_95 = arith.constant 0 : index
      %swap3A_96 = vector.load %arg25[%swap3A_94, %swap3A_95] : memref<128x128xf32, #tpu.memory_space<vmem>>, vector<128x128xf32>
      tpu.vector_store %arg25[%swap3A_94, %swap3A_95], %broadcast_in_dim3A_93 {strides = array<i32>} : memref<128x128xf32, #tpu.memory_space<vmem>>, vector<128x128xf32>,
      %broadcast_in_dim3A_97 = arith.constant 0.000000e+00 : f32
      %broadcast_in_dim3A_98 = vector.broadcast %broadcast_in_dim3A_97 : f32 to vector<128x128xf32>
      %swap3A_99 = arith.constant 0 : index
      %swap3A_100 = arith.constant 0 : index
      %swap3A_101 = vector.load %arg26[%swap3A_99, %swap3A_100] : memref<128x128xf32, #tpu.memory_space<vmem>>, vector<128x128xf32>
      tpu.vector_store %arg26[%swap3A_99, %swap3A_100], %broadcast_in_dim3A_98 {strides = array<i32>} : memref<128x128xf32, #tpu.memory_space<vmem>>, vector<128x128xf32>,
      %broadcast_in_dim3A_102 = arith.constant 0.000000e+00 : f32
      %broadcast_in_dim3A_103 = vector.broadcast %broadcast_in_dim3A_102 : f32 to vector<256x128xf32>
      %swap3A_104 = arith.constant 0 : index
      %swap3A_105 = arith.constant 0 : index
      %swap3A_106 = vector.load %arg27[%swap3A_104, %swap3A_105] : memref<256x128xf32, #tpu.memory_space<vmem>>, vector<256x128xf32>
      tpu.vector_store %arg27[%swap3A_104, %swap3A_105], %broadcast_in_dim3A_103 {strides = array<i32>} : memref<256x128xf32, #tpu.memory_space<vmem>>, vector<256x128xf32>,
      %broadcast_in_dim3A_107 = arith.constant 0.000000e+00 : f32
      %broadcast_in_dim3A_108 = vector.broadcast %broadcast_in_dim3A_107 : f32 to vector<256x128xf32>
      %swap3A_109 = arith.constant 0 : index
      %swap3A_110 = arith.constant 0 : index
      %swap3A_111 = vector.load %arg28[%swap3A_109, %swap3A_110] : memref<256x128xf32, #tpu.memory_space<vmem>>, vector<256x128xf32>
      tpu.vector_store %arg28[%swap3A_109, %swap3A_110], %broadcast_in_dim3A_108 {strides = array<i32>} : memref<256x128xf32, #tpu.memory_space<vmem>>, vector<256x128xf32>,
    } else {
    }
    %eq3A_12 = arith.constant 0 : i32
    %eq3A_13 = arith.cmpi eq, %arg1, %eq3A_12 : i32
    %eq3A_14 = arith.constant 0 : i32
    %eq3A_15 = arith.cmpi eq, %arg2, %eq3A_14 : i32
    %and3A_16 = arith.andi %eq3A_13, %eq3A_15 : i1
    %eq3A_17 = arith.constant 1 : i32
    %eq3A_18 = arith.cmpi eq, %arg0, %eq3A_17 : i32
    %and3A_19 = arith.andi %eq3A_18, %and3A_16 : i1
    %convert_element_type3A_20 = arith.extui %and3A_19 : i1 to i32
    %cond3A_21 = arith.constant 0 : i32
    %cond3A_22 = arith.cmpi ne, %convert_element_type3A_20, %cond3A_21 : i32
    scf.if %cond3A_22 {
      %get3A_73 = arith.constant 0 : index
      %get3A_74 = arith.constant 0 : index
      %get3A_75 = vector.load %arg21[%get3A_73, %get3A_74] : memref<64x128xf32, #tpu.memory_space<vmem>>, vector<64x1xf32>
      %div3A = arith.constant 1.310720e+05 : f32
      %div3A_76 = vector.broadcast %div3A : f32 to vector<64x1xf32>
      %div3A_77 = arith.divf %get3A_75, %div3A_76 : vector<64x1xf32>
      %get3A_78 = arith.constant 0 : index
      %get3A_79 = arith.constant 0 : index
      %get3A_80 = vector.load %arg22[%get3A_78, %get3A_79] : memref<64x128xf32, #tpu.memory_space<vmem>>, vector<64x1xf32>
      %div3A_81 = arith.constant 1.310720e+05 : f32
      %div3A_82 = vector.broadcast %div3A_81 : f32 to vector<64x1xf32>
      %div3A_83 = arith.divf %get3A_80, %div3A_82 : vector<64x1xf32>
      %mul3A = arith.mulf %div3A_77, %div3A_77 : vector<64x1xf32>
      %sub3A = arith.subf %div3A_83, %mul3A : vector<64x1xf32>
      %get3A_84 = arith.constant 0 : index
      %get3A_85 = arith.constant 0 : index
      %get3A_86 = vector.load %arg9[%get3A_84, %get3A_85] : memref<64x1xf32, #tpu.memory_space<vmem>>, vector<64x1xf32>
      %add3A = arith.constant 9.99999974E-6 : f32
      %add3A_87 = vector.broadcast %add3A : f32 to vector<64x1xf32>
      %add3A_88 = arith.addf %sub3A, %add3A_87 : vector<64x1xf32>
      %sqrt3A = math.sqrt %add3A_88 : vector<64x1xf32>
      %div3A_89 = arith.divf %get3A_86, %sqrt3A : vector<64x1xf32>
      %swap3A = arith.constant 0 : index
      %swap3A_90 = arith.constant 0 : index
      %swap3A_91 = vector.load %arg29[%swap3A, %swap3A_90] : memref<64x128xf32, #tpu.memory_space<vmem>>, vector<64x1xf32>
      tpu.vector_store %arg29[%swap3A, %swap3A_90], %div3A_89 {strides = array<i32>} : memref<64x128xf32, #tpu.memory_space<vmem>>, vector<64x1xf32>,
      %get3A_92 = arith.constant 0 : index
      %get3A_93 = arith.constant 0 : index
      %get3A_94 = vector.load %arg10[%get3A_92, %get3A_93] : memref<64x1xf32, #tpu.memory_space<vmem>>, vector<64x1xf32>
      %mul3A_95 = arith.mulf %div3A_77, %div3A_89 : vector<64x1xf32>
      %sub3A_96 = arith.subf %get3A_94, %mul3A_95 : vector<64x1xf32>
      %swap3A_97 = arith.constant 0 : index
      %swap3A_98 = arith.constant 1 : index
      %swap3A_99 = vector.load %arg29[%swap3A_97, %swap3A_98] : memref<64x128xf32, #tpu.memory_space<vmem>>, vector<64x1xf32>
      tpu.vector_store %arg29[%swap3A_97, %swap3A_98], %sub3A_96 {strides = array<i32>} : memref<64x128xf32, #tpu.memory_space<vmem>>, vector<64x1xf32>,
    } else {
    }
    %eq3A_23 = arith.constant 2 : i32
    %eq3A_24 = arith.cmpi eq, %arg0, %eq3A_23 : i32
    %and3A_25 = arith.andi %eq3A_24, %and3A_16 : i1
    %convert_element_type3A_26 = arith.extui %and3A_25 : i1 to i32
    %cond3A_27 = arith.constant 0 : i32
    %cond3A_28 = arith.cmpi ne, %convert_element_type3A_26, %cond3A_27 : i32
    scf.if %cond3A_28 {
      %get3A_73 = arith.constant 0 : index
      %get3A_74 = arith.constant 0 : index
      %get3A_75 = vector.load %arg23[%get3A_73, %get3A_74] : memref<64x128xf32, #tpu.memory_space<vmem>>, vector<64x1xf32>
      %div3A = arith.constant 1.310720e+05 : f32
      %div3A_76 = vector.broadcast %div3A : f32 to vector<64x1xf32>
      %div3A_77 = arith.divf %get3A_75, %div3A_76 : vector<64x1xf32>
      %get3A_78 = arith.constant 0 : index
      %get3A_79 = arith.constant 0 : index
      %get3A_80 = vector.load %arg24[%get3A_78, %get3A_79] : memref<64x128xf32, #tpu.memory_space<vmem>>, vector<64x1xf32>
      %div3A_81 = arith.constant 1.310720e+05 : f32
      %div3A_82 = vector.broadcast %div3A_81 : f32 to vector<64x1xf32>
      %div3A_83 = arith.divf %get3A_80, %div3A_82 : vector<64x1xf32>
      %mul3A = arith.mulf %div3A_77, %div3A_77 : vector<64x1xf32>
      %sub3A = arith.subf %div3A_83, %mul3A : vector<64x1xf32>
      %get3A_84 = arith.constant 0 : index
      %get3A_85 = arith.constant 0 : index
      %get3A_86 = vector.load %arg11[%get3A_84, %get3A_85] : memref<64x1xf32, #tpu.memory_space<vmem>>, vector<64x1xf32>
      %add3A = arith.constant 9.99999974E-6 : f32
      %add3A_87 = vector.broadcast %add3A : f32 to vector<64x1xf32>
      %add3A_88 = arith.addf %sub3A, %add3A_87 : vector<64x1xf32>
      %sqrt3A = math.sqrt %add3A_88 : vector<64x1xf32>
      %div3A_89 = arith.divf %get3A_86, %sqrt3A : vector<64x1xf32>
      %swap3A = arith.constant 0 : index
      %swap3A_90 = arith.constant 0 : index
      %swap3A_91 = vector.load %arg30[%swap3A, %swap3A_90] : memref<64x128xf32, #tpu.memory_space<vmem>>, vector<64x1xf32>
      tpu.vector_store %arg30[%swap3A, %swap3A_90], %div3A_89 {strides = array<i32>} : memref<64x128xf32, #tpu.memory_space<vmem>>, vector<64x1xf32>,
      %get3A_92 = arith.constant 0 : index
      %get3A_93 = arith.constant 0 : index
      %get3A_94 = vector.load %arg12[%get3A_92, %get3A_93] : memref<64x1xf32, #tpu.memory_space<vmem>>, vector<64x1xf32>
      %mul3A_95 = arith.mulf %div3A_77, %div3A_89 : vector<64x1xf32>
      %sub3A_96 = arith.subf %get3A_94, %mul3A_95 : vector<64x1xf32>
      %swap3A_97 = arith.constant 0 : index
      %swap3A_98 = arith.constant 1 : index
      %swap3A_99 = vector.load %arg30[%swap3A_97, %swap3A_98] : memref<64x128xf32, #tpu.memory_space<vmem>>, vector<64x1xf32>
      tpu.vector_store %arg30[%swap3A_97, %swap3A_98], %sub3A_96 {strides = array<i32>} : memref<64x128xf32, #tpu.memory_space<vmem>>, vector<64x1xf32>,
    } else {
    }
    %eq3A_29 = arith.constant 3 : i32
    %eq3A_30 = arith.cmpi eq, %arg0, %eq3A_29 : i32
    %and3A_31 = arith.andi %eq3A_30, %and3A_16 : i1
    %convert_element_type3A_32 = arith.extui %and3A_31 : i1 to i32
    %cond3A_33 = arith.constant 0 : i32
    %cond3A_34 = arith.cmpi ne, %convert_element_type3A_32, %cond3A_33 : i32
    scf.if %cond3A_34 {
      %get3A_73 = arith.constant 0 : index
      %get3A_74 = arith.constant 0 : index
      %get3A_75 = vector.load %arg25[%get3A_73, %get3A_74] : memref<128x128xf32, #tpu.memory_space<vmem>>, vector<128x1xf32>
      %div3A = arith.constant 1.310720e+05 : f32
      %div3A_76 = vector.broadcast %div3A : f32 to vector<128x1xf32>
      %div3A_77 = arith.divf %get3A_75, %div3A_76 : vector<128x1xf32>
      %get3A_78 = arith.constant 0 : index
      %get3A_79 = arith.constant 0 : index
      %get3A_80 = vector.load %arg26[%get3A_78, %get3A_79] : memref<128x128xf32, #tpu.memory_space<vmem>>, vector<128x1xf32>
      %div3A_81 = arith.constant 1.310720e+05 : f32
      %div3A_82 = vector.broadcast %div3A_81 : f32 to vector<128x1xf32>
      %div3A_83 = arith.divf %get3A_80, %div3A_82 : vector<128x1xf32>
      %mul3A = arith.mulf %div3A_77, %div3A_77 : vector<128x1xf32>
      %sub3A = arith.subf %div3A_83, %mul3A : vector<128x1xf32>
      %get3A_84 = arith.constant 0 : index
      %get3A_85 = arith.constant 0 : index
      %get3A_86 = vector.load %arg13[%get3A_84, %get3A_85] : memref<128x1xf32, #tpu.memory_space<vmem>>, vector<128x1xf32>
      %add3A = arith.constant 9.99999974E-6 : f32
      %add3A_87 = vector.broadcast %add3A : f32 to vector<128x1xf32>
      %add3A_88 = arith.addf %sub3A, %add3A_87 : vector<128x1xf32>
      %sqrt3A = math.sqrt %add3A_88 : vector<128x1xf32>
      %div3A_89 = arith.divf %get3A_86, %sqrt3A : vector<128x1xf32>
      %swap3A = arith.constant 0 : index
      %swap3A_90 = arith.constant 0 : index
      %swap3A_91 = vector.load %arg31[%swap3A, %swap3A_90] : memref<128x128xf32, #tpu.memory_space<vmem>>, vector<128x1xf32>
      tpu.vector_store %arg31[%swap3A, %swap3A_90], %div3A_89 {strides = array<i32>} : memref<128x128xf32, #tpu.memory_space<vmem>>, vector<128x1xf32>,
      %get3A_92 = arith.constant 0 : index
      %get3A_93 = arith.constant 0 : index
      %get3A_94 = vector.load %arg14[%get3A_92, %get3A_93] : memref<128x1xf32, #tpu.memory_space<vmem>>, vector<128x1xf32>
      %mul3A_95 = arith.mulf %div3A_77, %div3A_89 : vector<128x1xf32>
      %sub3A_96 = arith.subf %get3A_94, %mul3A_95 : vector<128x1xf32>
      %swap3A_97 = arith.constant 0 : index
      %swap3A_98 = arith.constant 1 : index
      %swap3A_99 = vector.load %arg31[%swap3A_97, %swap3A_98] : memref<128x128xf32, #tpu.memory_space<vmem>>, vector<128x1xf32>
      tpu.vector_store %arg31[%swap3A_97, %swap3A_98], %sub3A_96 {strides = array<i32>} : memref<128x128xf32, #tpu.memory_space<vmem>>, vector<128x1xf32>,
    } else {
    }
    %eq3A_35 = arith.constant 4 : i32
    %eq3A_36 = arith.cmpi eq, %arg0, %eq3A_35 : i32
    %and3A_37 = arith.andi %eq3A_36, %and3A_16 : i1
    %convert_element_type3A_38 = arith.extui %and3A_37 : i1 to i32
    %cond3A_39 = arith.constant 0 : i32
    %cond3A_40 = arith.cmpi ne, %convert_element_type3A_38, %cond3A_39 : i32
    scf.if %cond3A_40 {
      %get3A_73 = arith.constant 0 : index
      %get3A_74 = arith.constant 0 : index
      %get3A_75 = vector.load %arg27[%get3A_73, %get3A_74] : memref<256x128xf32, #tpu.memory_space<vmem>>, vector<256x1xf32>
      %div3A = arith.constant 1.310720e+05 : f32
      %div3A_76 = vector.broadcast %div3A : f32 to vector<256x1xf32>
      %div3A_77 = arith.divf %get3A_75, %div3A_76 : vector<256x1xf32>
      %get3A_78 = arith.constant 0 : index
      %get3A_79 = arith.constant 0 : index
      %get3A_80 = vector.load %arg28[%get3A_78, %get3A_79] : memref<256x128xf32, #tpu.memory_space<vmem>>, vector<256x1xf32>
      %div3A_81 = arith.constant 1.310720e+05 : f32
      %div3A_82 = vector.broadcast %div3A_81 : f32 to vector<256x1xf32>
      %div3A_83 = arith.divf %get3A_80, %div3A_82 : vector<256x1xf32>
      %mul3A = arith.mulf %div3A_77, %div3A_77 : vector<256x1xf32>
      %sub3A = arith.subf %div3A_83, %mul3A : vector<256x1xf32>
      %get3A_84 = arith.constant 0 : index
      %get3A_85 = arith.constant 0 : index
      %get3A_86 = vector.load %arg15[%get3A_84, %get3A_85] : memref<256x1xf32, #tpu.memory_space<vmem>>, vector<256x1xf32>
      %add3A = arith.constant 9.99999974E-6 : f32
      %add3A_87 = vector.broadcast %add3A : f32 to vector<256x1xf32>
      %add3A_88 = arith.addf %sub3A, %add3A_87 : vector<256x1xf32>
      %sqrt3A = math.sqrt %add3A_88 : vector<256x1xf32>
      %div3A_89 = arith.divf %get3A_86, %sqrt3A : vector<256x1xf32>
      %swap3A = arith.constant 0 : index
      %swap3A_90 = arith.constant 0 : index
      %swap3A_91 = vector.load %arg32[%swap3A, %swap3A_90] : memref<256x128xf32, #tpu.memory_space<vmem>>, vector<256x1xf32>
      tpu.vector_store %arg32[%swap3A, %swap3A_90], %div3A_89 {strides = array<i32>} : memref<256x128xf32, #tpu.memory_space<vmem>>, vector<256x1xf32>,
      %get3A_92 = arith.constant 0 : index
      %get3A_93 = arith.constant 0 : index
      %get3A_94 = vector.load %arg16[%get3A_92, %get3A_93] : memref<256x1xf32, #tpu.memory_space<vmem>>, vector<256x1xf32>
      %mul3A_95 = arith.mulf %div3A_77, %div3A_89 : vector<256x1xf32>
      %sub3A_96 = arith.subf %get3A_94, %mul3A_95 : vector<256x1xf32>
      %swap3A_97 = arith.constant 0 : index
      %swap3A_98 = arith.constant 1 : index
      %swap3A_99 = vector.load %arg32[%swap3A_97, %swap3A_98] : memref<256x128xf32, #tpu.memory_space<vmem>>, vector<256x1xf32>
      tpu.vector_store %arg32[%swap3A_97, %swap3A_98], %sub3A_96 {strides = array<i32>} : memref<256x128xf32, #tpu.memory_space<vmem>>, vector<256x1xf32>,
    } else {
    }
    %get3A_41 = arith.constant 0 : index
    %get3A_42 = arith.constant 0 : index
    %get3A_43 = vector.load %arg5[%get3A_41, %get3A_42] : memref<64x16xf32, #tpu.memory_space<vmem>>, vector<64x16xf32>
    %get3A_44 = arith.constant 0 : index
    %get3A_45 = arith.constant 0 : index
    %get3A_46 = vector.load %arg3[%get3A_44, %get3A_45] : memref<4096x16xf32, #tpu.memory_space<vmem>>, vector<4096x16xf32>
    %dot_general3A = arith.constant dense<0.000000e+00> : vector<64x4096xf32>
    %dot_general3A_47 = tpu.matmul %get3A_43, %get3A_46, %dot_general3A {dimension_numbers = #tpu.dot_dimension_numbers<[1], [1], [0], [0], [0, 0, 1, 0], [], []>, transpose_lhs_hint = false} : vector<64x16xf32>, vector<4096x16xf32>, vector<64x4096xf32> -> vector<64x4096xf32>
    %eq3A_48 = arith.constant 0 : i32
    %eq3A_49 = arith.cmpi eq, %arg0, %eq3A_48 : i32
    %convert_element_type3A_50 = arith.extui %eq3A_49 : i1 to i32
    %cond3A_51 = arith.constant 0 : i32
    %cond3A_52 = arith.cmpi ne, %convert_element_type3A_50, %cond3A_51 : i32
    scf.if %cond3A_52 {
      %get3A_73 = arith.constant 0 : index
      %get3A_74 = arith.constant 0 : index
      %get3A_75 = vector.load %arg21[%get3A_73, %get3A_74] : memref<64x128xf32, #tpu.memory_space<vmem>>, vector<64x128xf32>
      %dot_general3A_76 = arith.constant dense<0.000000e+00> : vector<64x1xf32>
      %dot_general3A_77 = tpu.matmul %dot_general3A_47, %broadcast_in_dim3A_4, %dot_general3A_76 {dimension_numbers = #tpu.dot_dimension_numbers<[1], [0], [0], [1], [0, 0, 1, 1], [], []>, precision = #tpu.contract_precision<fp32>, transpose_lhs_hint = false} : vector<64x4096xf32>, vector<4096x1xf32>, vector<64x1xf32> -> vector<64x1xf32>
      %add3A = vector.broadcast %dot_general3A_77 : vector<64x1xf32> to vector<64x128xf32>
      %add3A_78 = arith.addf %get3A_75, %add3A : vector<64x128xf32>
      %swap3A = arith.constant 0 : index
      %swap3A_79 = arith.constant 0 : index
      %swap3A_80 = vector.load %arg21[%swap3A, %swap3A_79] : memref<64x128xf32, #tpu.memory_space<vmem>>, vector<64x128xf32>
      tpu.vector_store %arg21[%swap3A, %swap3A_79], %add3A_78 {strides = array<i32>} : memref<64x128xf32, #tpu.memory_space<vmem>>, vector<64x128xf32>,
      %get3A_81 = arith.constant 0 : index
      %get3A_82 = arith.constant 0 : index
      %get3A_83 = vector.load %arg22[%get3A_81, %get3A_82] : memref<64x128xf32, #tpu.memory_space<vmem>>, vector<64x128xf32>
      %mul3A = arith.mulf %dot_general3A_47, %dot_general3A_47 : vector<64x4096xf32>
      %dot_general3A_84 = arith.constant dense<0.000000e+00> : vector<64x1xf32>
      %dot_general3A_85 = tpu.matmul %mul3A, %broadcast_in_dim3A_4, %dot_general3A_84 {dimension_numbers = #tpu.dot_dimension_numbers<[1], [0], [0], [1], [0, 0, 1, 1], [], []>, precision = #tpu.contract_precision<fp32>, transpose_lhs_hint = false} : vector<64x4096xf32>, vector<4096x1xf32>, vector<64x1xf32> -> vector<64x1xf32>
      %add3A_86 = vector.broadcast %dot_general3A_85 : vector<64x1xf32> to vector<64x128xf32>
      %add3A_87 = arith.addf %get3A_83, %add3A_86 : vector<64x128xf32>
      %swap3A_88 = arith.constant 0 : index
      %swap3A_89 = arith.constant 0 : index
      %swap3A_90 = vector.load %arg22[%swap3A_88, %swap3A_89] : memref<64x128xf32, #tpu.memory_space<vmem>>, vector<64x128xf32>
      tpu.vector_store %arg22[%swap3A_88, %swap3A_89], %add3A_87 {strides = array<i32>} : memref<64x128xf32, #tpu.memory_space<vmem>>, vector<64x128xf32>,
    } else {
    }
    %eq3A_53 = arith.constant 1 : i32
    %eq3A_54 = arith.cmpi eq, %arg0, %eq3A_53 : i32
    %convert_element_type3A_55 = arith.extui %eq3A_54 : i1 to i32
    %cond3A_56 = arith.constant 0 : i32
    %cond3A_57 = arith.cmpi ne, %convert_element_type3A_55, %cond3A_56 : i32
    scf.if %cond3A_57 {
      %get3A_73 = arith.constant 0 : index
      %get3A_74 = arith.constant 0 : index
      %get3A_75 = vector.load %arg29[%get3A_73, %get3A_74] : memref<64x128xf32, #tpu.memory_space<vmem>>, vector<64x1xf32>
      %mul3A = vector.broadcast %get3A_75 : vector<64x1xf32> to vector<64x4096xf32>
      %mul3A_76 = arith.mulf %dot_general3A_47, %mul3A : vector<64x4096xf32>
      %get3A_77 = arith.constant 0 : index
      %get3A_78 = arith.constant 1 : index
      %get3A_79 = vector.load %arg29[%get3A_77, %get3A_78] : memref<64x128xf32, #tpu.memory_space<vmem>>, vector<64x1xf32>
      %add3A = vector.broadcast %get3A_79 : vector<64x1xf32> to vector<64x4096xf32>
      %add3A_80 = arith.addf %mul3A_76, %add3A : vector<64x4096xf32>
      %max3A = arith.constant 0.000000e+00 : f32
      %max3A_81 = vector.broadcast %max3A : f32 to vector<64x4096xf32>
      %max3A_82 = arith.maximumf %add3A_80, %max3A_81 : vector<64x4096xf32>
      %mul3A_83 = vector.broadcast %get3A_3 : vector<1x4096xf32> to vector<64x4096xf32>
      %mul3A_84 = arith.mulf %max3A_82, %mul3A_83 : vector<64x4096xf32>
      %eq3A_85 = arith.constant 0 : i32
      %eq3A_86 = arith.cmpi eq, %arg2, %eq3A_85 : i32
      %convert_element_type3A_87 = arith.extui %eq3A_86 : i1 to i32
      %cond3A_88 = arith.constant 0 : i32
      %cond3A_89 = arith.cmpi ne, %convert_element_type3A_87, %cond3A_88 : i32
      scf.if %cond3A_89 {
        %swap3A_119 = arith.constant 0 : index
        %swap3A_120 = arith.constant 0 : index
        %swap3A_121 = vector.load %arg17[%swap3A_119, %swap3A_120] : memref<64x4096xf32, #tpu.memory_space<vmem>>, vector<64x4096xf32>
        tpu.vector_store %arg17[%swap3A_119, %swap3A_120], %mul3A_84 {strides = array<i32>} : memref<64x4096xf32, #tpu.memory_space<vmem>>, vector<64x4096xf32>,
      } else {
      }
      %gt3A = arith.constant 0 : i32
      %gt3A_90 = arith.cmpi sgt, %arg2, %gt3A : i32
      %convert_element_type3A_91 = arith.extui %gt3A_90 : i1 to i32
      %cond3A_92 = arith.constant 0 : i32
      %cond3A_93 = arith.cmpi ne, %convert_element_type3A_91, %cond3A_92 : i32
      scf.if %cond3A_93 {
        %get3A_119 = arith.constant 0 : index
        %get3A_120 = arith.constant 0 : index
        %get3A_121 = vector.load %arg17[%get3A_119, %get3A_120] : memref<64x4096xf32, #tpu.memory_space<vmem>>, vector<64x4096xf32>
        %max3A_122 = arith.maximumf %get3A_121, %mul3A_84 : vector<64x4096xf32>
        %swap3A_123 = arith.constant 0 : index
        %swap3A_124 = arith.constant 0 : index
        %swap3A_125 = vector.load %arg17[%swap3A_123, %swap3A_124] : memref<64x4096xf32, #tpu.memory_space<vmem>>, vector<64x4096xf32>
        tpu.vector_store %arg17[%swap3A_123, %swap3A_124], %max3A_122 {strides = array<i32>} : memref<64x4096xf32, #tpu.memory_space<vmem>>, vector<64x4096xf32>,
      } else {
      }
      %get3A_94 = arith.constant 0 : index
      %get3A_95 = arith.constant 0 : index
      %get3A_96 = vector.load %arg6[%get3A_94, %get3A_95] : memref<64x64xf32, #tpu.memory_space<vmem>>, vector<64x64xf32>
      %dot_general3A_97 = arith.constant dense<0.000000e+00> : vector<64x4096xf32>
      %dot_general3A_98 = tpu.matmul %get3A_96, %max3A_82, %dot_general3A_97 {dimension_numbers = #tpu.dot_dimension_numbers<[1], [0], [0], [1], [0, 0, 1, 1], [], []>, transpose_lhs_hint = false} : vector<64x64xf32>, vector<64x4096xf32>, vector<64x4096xf32> -> vector<64x4096xf32>
      %get3A_99 = arith.constant 0 : index
      %get3A_100 = arith.constant 0 : index
      %get3A_101 = vector.load %arg23[%get3A_99, %get3A_100] : memref<64x128xf32, #tpu.memory_space<vmem>>, vector<64x128xf32>
      %dot_general3A_102 = arith.constant dense<0.000000e+00> : vector<64x1xf32>
      %dot_general3A_103 = tpu.matmul %dot_general3A_98, %broadcast_in_dim3A_4, %dot_general3A_102 {dimension_numbers = #tpu.dot_dimension_numbers<[1], [0], [0], [1], [0, 0, 1, 1], [], []>, precision = #tpu.contract_precision<fp32>, transpose_lhs_hint = false} : vector<64x4096xf32>, vector<4096x1xf32>, vector<64x1xf32> -> vector<64x1xf32>
      %add3A_104 = vector.broadcast %dot_general3A_103 : vector<64x1xf32> to vector<64x128xf32>
      %add3A_105 = arith.addf %get3A_101, %add3A_104 : vector<64x128xf32>
      %swap3A = arith.constant 0 : index
      %swap3A_106 = arith.constant 0 : index
      %swap3A_107 = vector.load %arg23[%swap3A, %swap3A_106] : memref<64x128xf32, #tpu.memory_space<vmem>>, vector<64x128xf32>
      tpu.vector_store %arg23[%swap3A, %swap3A_106], %add3A_105 {strides = array<i32>} : memref<64x128xf32, #tpu.memory_space<vmem>>, vector<64x128xf32>,
      %get3A_108 = arith.constant 0 : index
      %get3A_109 = arith.constant 0 : index
      %get3A_110 = vector.load %arg24[%get3A_108, %get3A_109] : memref<64x128xf32, #tpu.memory_space<vmem>>, vector<64x128xf32>
      %mul3A_111 = arith.mulf %dot_general3A_98, %dot_general3A_98 : vector<64x4096xf32>
      %dot_general3A_112 = arith.constant dense<0.000000e+00> : vector<64x1xf32>
      %dot_general3A_113 = tpu.matmul %mul3A_111, %broadcast_in_dim3A_4, %dot_general3A_112 {dimension_numbers = #tpu.dot_dimension_numbers<[1], [0], [0], [1], [0, 0, 1, 1], [], []>, precision = #tpu.contract_precision<fp32>, transpose_lhs_hint = false} : vector<64x4096xf32>, vector<4096x1xf32>, vector<64x1xf32> -> vector<64x1xf32>
      %add3A_114 = vector.broadcast %dot_general3A_113 : vector<64x1xf32> to vector<64x128xf32>
      %add3A_115 = arith.addf %get3A_110, %add3A_114 : vector<64x128xf32>
      %swap3A_116 = arith.constant 0 : index
      %swap3A_117 = arith.constant 0 : index
      %swap3A_118 = vector.load %arg24[%swap3A_116, %swap3A_117] : memref<64x128xf32, #tpu.memory_space<vmem>>, vector<64x128xf32>
      tpu.vector_store %arg24[%swap3A_116, %swap3A_117], %add3A_115 {strides = array<i32>} : memref<64x128xf32, #tpu.memory_space<vmem>>, vector<64x128xf32>,
    } else {
    }
    %eq3A_58 = arith.constant 2 : i32
    %eq3A_59 = arith.cmpi eq, %arg0, %eq3A_58 : i32
    %convert_element_type3A_60 = arith.extui %eq3A_59 : i1 to i32
    %cond3A_61 = arith.constant 0 : i32
    %cond3A_62 = arith.cmpi ne, %convert_element_type3A_60, %cond3A_61 : i32
    scf.if %cond3A_62 {
      %get3A_73 = arith.constant 0 : index
      %get3A_74 = arith.constant 0 : index
      %get3A_75 = vector.load %arg29[%get3A_73, %get3A_74] : memref<64x128xf32, #tpu.memory_space<vmem>>, vector<64x1xf32>
      %mul3A = vector.broadcast %get3A_75 : vector<64x1xf32> to vector<64x4096xf32>
      %mul3A_76 = arith.mulf %dot_general3A_47, %mul3A : vector<64x4096xf32>
      %get3A_77 = arith.constant 0 : index
      %get3A_78 = arith.constant 1 : index
      %get3A_79 = vector.load %arg29[%get3A_77, %get3A_78] : memref<64x128xf32, #tpu.memory_space<vmem>>, vector<64x1xf32>
      %add3A = vector.broadcast %get3A_79 : vector<64x1xf32> to vector<64x4096xf32>
      %add3A_80 = arith.addf %mul3A_76, %add3A : vector<64x4096xf32>
      %max3A = arith.constant 0.000000e+00 : f32
      %max3A_81 = vector.broadcast %max3A : f32 to vector<64x4096xf32>
      %max3A_82 = arith.maximumf %add3A_80, %max3A_81 : vector<64x4096xf32>
      %get3A_83 = arith.constant 0 : index
      %get3A_84 = arith.constant 0 : index
      %get3A_85 = vector.load %arg6[%get3A_83, %get3A_84] : memref<64x64xf32, #tpu.memory_space<vmem>>, vector<64x64xf32>
      %dot_general3A_86 = arith.constant dense<0.000000e+00> : vector<64x4096xf32>
      %dot_general3A_87 = tpu.matmul %get3A_85, %max3A_82, %dot_general3A_86 {dimension_numbers = #tpu.dot_dimension_numbers<[1], [0], [0], [1], [0, 0, 1, 1], [], []>, transpose_lhs_hint = false} : vector<64x64xf32>, vector<64x4096xf32>, vector<64x4096xf32> -> vector<64x4096xf32>
      %get3A_88 = arith.constant 0 : index
      %get3A_89 = arith.constant 0 : index
      %get3A_90 = vector.load %arg30[%get3A_88, %get3A_89] : memref<64x128xf32, #tpu.memory_space<vmem>>, vector<64x1xf32>
      %mul3A_91 = vector.broadcast %get3A_90 : vector<64x1xf32> to vector<64x4096xf32>
      %mul3A_92 = arith.mulf %dot_general3A_87, %mul3A_91 : vector<64x4096xf32>
      %get3A_93 = arith.constant 0 : index
      %get3A_94 = arith.constant 1 : index
      %get3A_95 = vector.load %arg30[%get3A_93, %get3A_94] : memref<64x128xf32, #tpu.memory_space<vmem>>, vector<64x1xf32>
      %add3A_96 = vector.broadcast %get3A_95 : vector<64x1xf32> to vector<64x4096xf32>
      %add3A_97 = arith.addf %mul3A_92, %add3A_96 : vector<64x4096xf32>
      %max3A_98 = arith.constant 0.000000e+00 : f32
      %max3A_99 = vector.broadcast %max3A_98 : f32 to vector<64x4096xf32>
      %max3A_100 = arith.maximumf %add3A_97, %max3A_99 : vector<64x4096xf32>
      %mul3A_101 = vector.broadcast %get3A_3 : vector<1x4096xf32> to vector<64x4096xf32>
      %mul3A_102 = arith.mulf %max3A_100, %mul3A_101 : vector<64x4096xf32>
      %eq3A_103 = arith.constant 0 : i32
      %eq3A_104 = arith.cmpi eq, %arg2, %eq3A_103 : i32
      %convert_element_type3A_105 = arith.extui %eq3A_104 : i1 to i32
      %cond3A_106 = arith.constant 0 : i32
      %cond3A_107 = arith.cmpi ne, %convert_element_type3A_105, %cond3A_106 : i32
      scf.if %cond3A_107 {
        %swap3A_137 = arith.constant 0 : index
        %swap3A_138 = arith.constant 0 : index
        %swap3A_139 = vector.load %arg18[%swap3A_137, %swap3A_138] : memref<64x4096xf32, #tpu.memory_space<vmem>>, vector<64x4096xf32>
        tpu.vector_store %arg18[%swap3A_137, %swap3A_138], %mul3A_102 {strides = array<i32>} : memref<64x4096xf32, #tpu.memory_space<vmem>>, vector<64x4096xf32>,
      } else {
      }
      %gt3A = arith.constant 0 : i32
      %gt3A_108 = arith.cmpi sgt, %arg2, %gt3A : i32
      %convert_element_type3A_109 = arith.extui %gt3A_108 : i1 to i32
      %cond3A_110 = arith.constant 0 : i32
      %cond3A_111 = arith.cmpi ne, %convert_element_type3A_109, %cond3A_110 : i32
      scf.if %cond3A_111 {
        %get3A_137 = arith.constant 0 : index
        %get3A_138 = arith.constant 0 : index
        %get3A_139 = vector.load %arg18[%get3A_137, %get3A_138] : memref<64x4096xf32, #tpu.memory_space<vmem>>, vector<64x4096xf32>
        %max3A_140 = arith.maximumf %get3A_139, %mul3A_102 : vector<64x4096xf32>
        %swap3A_141 = arith.constant 0 : index
        %swap3A_142 = arith.constant 0 : index
        %swap3A_143 = vector.load %arg18[%swap3A_141, %swap3A_142] : memref<64x4096xf32, #tpu.memory_space<vmem>>, vector<64x4096xf32>
        tpu.vector_store %arg18[%swap3A_141, %swap3A_142], %max3A_140 {strides = array<i32>} : memref<64x4096xf32, #tpu.memory_space<vmem>>, vector<64x4096xf32>,
      } else {
      }
      %get3A_112 = arith.constant 0 : index
      %get3A_113 = arith.constant 0 : index
      %get3A_114 = vector.load %arg7[%get3A_112, %get3A_113] : memref<128x64xf32, #tpu.memory_space<vmem>>, vector<128x64xf32>
      %dot_general3A_115 = arith.constant dense<0.000000e+00> : vector<128x4096xf32>
      %dot_general3A_116 = tpu.matmul %get3A_114, %max3A_100, %dot_general3A_115 {dimension_numbers = #tpu.dot_dimension_numbers<[1], [0], [0], [1], [0, 0, 1, 1], [], []>, transpose_lhs_hint = false} : vector<128x64xf32>, vector<64x4096xf32>, vector<128x4096xf32> -> vector<128x4096xf32>
      %get3A_117 = arith.constant 0 : index
      %get3A_118 = arith.constant 0 : index
      %get3A_119 = vector.load %arg25[%get3A_117, %get3A_118] : memref<128x128xf32, #tpu.memory_space<vmem>>, vector<128x128xf32>
      %dot_general3A_120 = arith.constant dense<0.000000e+00> : vector<128x1xf32>
      %dot_general3A_121 = tpu.matmul %dot_general3A_116, %broadcast_in_dim3A_4, %dot_general3A_120 {dimension_numbers = #tpu.dot_dimension_numbers<[1], [0], [0], [1], [0, 0, 1, 1], [], []>, precision = #tpu.contract_precision<fp32>, transpose_lhs_hint = false} : vector<128x4096xf32>, vector<4096x1xf32>, vector<128x1xf32> -> vector<128x1xf32>
      %add3A_122 = vector.broadcast %dot_general3A_121 : vector<128x1xf32> to vector<128x128xf32>
      %add3A_123 = arith.addf %get3A_119, %add3A_122 : vector<128x128xf32>
      %swap3A = arith.constant 0 : index
      %swap3A_124 = arith.constant 0 : index
      %swap3A_125 = vector.load %arg25[%swap3A, %swap3A_124] : memref<128x128xf32, #tpu.memory_space<vmem>>, vector<128x128xf32>
      tpu.vector_store %arg25[%swap3A, %swap3A_124], %add3A_123 {strides = array<i32>} : memref<128x128xf32, #tpu.memory_space<vmem>>, vector<128x128xf32>,
      %get3A_126 = arith.constant 0 : index
      %get3A_127 = arith.constant 0 : index
      %get3A_128 = vector.load %arg26[%get3A_126, %get3A_127] : memref<128x128xf32, #tpu.memory_space<vmem>>, vector<128x128xf32>
      %mul3A_129 = arith.mulf %dot_general3A_116, %dot_general3A_116 : vector<128x4096xf32>
      %dot_general3A_130 = arith.constant dense<0.000000e+00> : vector<128x1xf32>
      %dot_general3A_131 = tpu.matmul %mul3A_129, %broadcast_in_dim3A_4, %dot_general3A_130 {dimension_numbers = #tpu.dot_dimension_numbers<[1], [0], [0], [1], [0, 0, 1, 1], [], []>, precision = #tpu.contract_precision<fp32>, transpose_lhs_hint = false} : vector<128x4096xf32>, vector<4096x1xf32>, vector<128x1xf32> -> vector<128x1xf32>
      %add3A_132 = vector.broadcast %dot_general3A_131 : vector<128x1xf32> to vector<128x128xf32>
      %add3A_133 = arith.addf %get3A_128, %add3A_132 : vector<128x128xf32>
      %swap3A_134 = arith.constant 0 : index
      %swap3A_135 = arith.constant 0 : index
      %swap3A_136 = vector.load %arg26[%swap3A_134, %swap3A_135] : memref<128x128xf32, #tpu.memory_space<vmem>>, vector<128x128xf32>
      tpu.vector_store %arg26[%swap3A_134, %swap3A_135], %add3A_133 {strides = array<i32>} : memref<128x128xf32, #tpu.memory_space<vmem>>, vector<128x128xf32>,
    } else {
    }
    %eq3A_63 = arith.constant 3 : i32
    %eq3A_64 = arith.cmpi eq, %arg0, %eq3A_63 : i32
    %convert_element_type3A_65 = arith.extui %eq3A_64 : i1 to i32
    %cond3A_66 = arith.constant 0 : i32
    %cond3A_67 = arith.cmpi ne, %convert_element_type3A_65, %cond3A_66 : i32
    scf.if %cond3A_67 {
      %get3A_73 = arith.constant 0 : index
      %get3A_74 = arith.constant 0 : index
      %get3A_75 = vector.load %arg29[%get3A_73, %get3A_74] : memref<64x128xf32, #tpu.memory_space<vmem>>, vector<64x1xf32>
      %mul3A = vector.broadcast %get3A_75 : vector<64x1xf32> to vector<64x4096xf32>
      %mul3A_76 = arith.mulf %dot_general3A_47, %mul3A : vector<64x4096xf32>
      %get3A_77 = arith.constant 0 : index
      %get3A_78 = arith.constant 1 : index
      %get3A_79 = vector.load %arg29[%get3A_77, %get3A_78] : memref<64x128xf32, #tpu.memory_space<vmem>>, vector<64x1xf32>
      %add3A = vector.broadcast %get3A_79 : vector<64x1xf32> to vector<64x4096xf32>
      %add3A_80 = arith.addf %mul3A_76, %add3A : vector<64x4096xf32>
      %max3A = arith.constant 0.000000e+00 : f32
      %max3A_81 = vector.broadcast %max3A : f32 to vector<64x4096xf32>
      %max3A_82 = arith.maximumf %add3A_80, %max3A_81 : vector<64x4096xf32>
      %get3A_83 = arith.constant 0 : index
      %get3A_84 = arith.constant 0 : index
      %get3A_85 = vector.load %arg6[%get3A_83, %get3A_84] : memref<64x64xf32, #tpu.memory_space<vmem>>, vector<64x64xf32>
      %dot_general3A_86 = arith.constant dense<0.000000e+00> : vector<64x4096xf32>
      %dot_general3A_87 = tpu.matmul %get3A_85, %max3A_82, %dot_general3A_86 {dimension_numbers = #tpu.dot_dimension_numbers<[1], [0], [0], [1], [0, 0, 1, 1], [], []>, transpose_lhs_hint = false} : vector<64x64xf32>, vector<64x4096xf32>, vector<64x4096xf32> -> vector<64x4096xf32>
      %get3A_88 = arith.constant 0 : index
      %get3A_89 = arith.constant 0 : index
      %get3A_90 = vector.load %arg30[%get3A_88, %get3A_89] : memref<64x128xf32, #tpu.memory_space<vmem>>, vector<64x1xf32>
      %mul3A_91 = vector.broadcast %get3A_90 : vector<64x1xf32> to vector<64x4096xf32>
      %mul3A_92 = arith.mulf %dot_general3A_87, %mul3A_91 : vector<64x4096xf32>
      %get3A_93 = arith.constant 0 : index
      %get3A_94 = arith.constant 1 : index
      %get3A_95 = vector.load %arg30[%get3A_93, %get3A_94] : memref<64x128xf32, #tpu.memory_space<vmem>>, vector<64x1xf32>
      %add3A_96 = vector.broadcast %get3A_95 : vector<64x1xf32> to vector<64x4096xf32>
      %add3A_97 = arith.addf %mul3A_92, %add3A_96 : vector<64x4096xf32>
      %max3A_98 = arith.constant 0.000000e+00 : f32
      %max3A_99 = vector.broadcast %max3A_98 : f32 to vector<64x4096xf32>
      %max3A_100 = arith.maximumf %add3A_97, %max3A_99 : vector<64x4096xf32>
      %get3A_101 = arith.constant 0 : index
      %get3A_102 = arith.constant 0 : index
      %get3A_103 = vector.load %arg7[%get3A_101, %get3A_102] : memref<128x64xf32, #tpu.memory_space<vmem>>, vector<128x64xf32>
      %dot_general3A_104 = arith.constant dense<0.000000e+00> : vector<128x4096xf32>
      %dot_general3A_105 = tpu.matmul %get3A_103, %max3A_100, %dot_general3A_104 {dimension_numbers = #tpu.dot_dimension_numbers<[1], [0], [0], [1], [0, 0, 1, 1], [], []>, transpose_lhs_hint = false} : vector<128x64xf32>, vector<64x4096xf32>, vector<128x4096xf32> -> vector<128x4096xf32>
      %get3A_106 = arith.constant 0 : index
      %get3A_107 = arith.constant 0 : index
      %get3A_108 = vector.load %arg31[%get3A_106, %get3A_107] : memref<128x128xf32, #tpu.memory_space<vmem>>, vector<128x1xf32>
      %mul3A_109 = vector.broadcast %get3A_108 : vector<128x1xf32> to vector<128x4096xf32>
      %mul3A_110 = arith.mulf %dot_general3A_105, %mul3A_109 : vector<128x4096xf32>
      %get3A_111 = arith.constant 0 : index
      %get3A_112 = arith.constant 1 : index
      %get3A_113 = vector.load %arg31[%get3A_111, %get3A_112] : memref<128x128xf32, #tpu.memory_space<vmem>>, vector<128x1xf32>
      %add3A_114 = vector.broadcast %get3A_113 : vector<128x1xf32> to vector<128x4096xf32>
      %add3A_115 = arith.addf %mul3A_110, %add3A_114 : vector<128x4096xf32>
      %max3A_116 = arith.constant 0.000000e+00 : f32
      %max3A_117 = vector.broadcast %max3A_116 : f32 to vector<128x4096xf32>
      %max3A_118 = arith.maximumf %add3A_115, %max3A_117 : vector<128x4096xf32>
      %mul3A_119 = vector.broadcast %get3A_3 : vector<1x4096xf32> to vector<128x4096xf32>
      %mul3A_120 = arith.mulf %max3A_118, %mul3A_119 : vector<128x4096xf32>
      %eq3A_121 = arith.constant 0 : i32
      %eq3A_122 = arith.cmpi eq, %arg2, %eq3A_121 : i32
      %convert_element_type3A_123 = arith.extui %eq3A_122 : i1 to i32
      %cond3A_124 = arith.constant 0 : i32
      %cond3A_125 = arith.cmpi ne, %convert_element_type3A_123, %cond3A_124 : i32
      scf.if %cond3A_125 {
        %swap3A_155 = arith.constant 0 : index
        %swap3A_156 = arith.constant 0 : index
        %swap3A_157 = vector.load %arg19[%swap3A_155, %swap3A_156] : memref<128x4096xf32, #tpu.memory_space<vmem>>, vector<128x4096xf32>
        tpu.vector_store %arg19[%swap3A_155, %swap3A_156], %mul3A_120 {strides = array<i32>} : memref<128x4096xf32, #tpu.memory_space<vmem>>, vector<128x4096xf32>,
      } else {
      }
      %gt3A = arith.constant 0 : i32
      %gt3A_126 = arith.cmpi sgt, %arg2, %gt3A : i32
      %convert_element_type3A_127 = arith.extui %gt3A_126 : i1 to i32
      %cond3A_128 = arith.constant 0 : i32
      %cond3A_129 = arith.cmpi ne, %convert_element_type3A_127, %cond3A_128 : i32
      scf.if %cond3A_129 {
        %get3A_155 = arith.constant 0 : index
        %get3A_156 = arith.constant 0 : index
        %get3A_157 = vector.load %arg19[%get3A_155, %get3A_156] : memref<128x4096xf32, #tpu.memory_space<vmem>>, vector<128x4096xf32>
        %max3A_158 = arith.maximumf %get3A_157, %mul3A_120 : vector<128x4096xf32>
        %swap3A_159 = arith.constant 0 : index
        %swap3A_160 = arith.constant 0 : index
        %swap3A_161 = vector.load %arg19[%swap3A_159, %swap3A_160] : memref<128x4096xf32, #tpu.memory_space<vmem>>, vector<128x4096xf32>
        tpu.vector_store %arg19[%swap3A_159, %swap3A_160], %max3A_158 {strides = array<i32>} : memref<128x4096xf32, #tpu.memory_space<vmem>>, vector<128x4096xf32>,
      } else {
      }
      %get3A_130 = arith.constant 0 : index
      %get3A_131 = arith.constant 0 : index
      %get3A_132 = vector.load %arg8[%get3A_130, %get3A_131] : memref<256x128xf32, #tpu.memory_space<vmem>>, vector<256x128xf32>
      %dot_general3A_133 = arith.constant dense<0.000000e+00> : vector<256x4096xf32>
      %dot_general3A_134 = tpu.matmul %get3A_132, %max3A_118, %dot_general3A_133 {dimension_numbers = #tpu.dot_dimension_numbers<[1], [0], [0], [1], [0, 0, 1, 1], [], []>, transpose_lhs_hint = false} : vector<256x128xf32>, vector<128x4096xf32>, vector<256x4096xf32> -> vector<256x4096xf32>
      %get3A_135 = arith.constant 0 : index
      %get3A_136 = arith.constant 0 : index
      %get3A_137 = vector.load %arg27[%get3A_135, %get3A_136] : memref<256x128xf32, #tpu.memory_space<vmem>>, vector<256x128xf32>
      %dot_general3A_138 = arith.constant dense<0.000000e+00> : vector<256x1xf32>
      %dot_general3A_139 = tpu.matmul %dot_general3A_134, %broadcast_in_dim3A_4, %dot_general3A_138 {dimension_numbers = #tpu.dot_dimension_numbers<[1], [0], [0], [1], [0, 0, 1, 1], [], []>, precision = #tpu.contract_precision<fp32>, transpose_lhs_hint = false} : vector<256x4096xf32>, vector<4096x1xf32>, vector<256x1xf32> -> vector<256x1xf32>
      %add3A_140 = vector.broadcast %dot_general3A_139 : vector<256x1xf32> to vector<256x128xf32>
      %add3A_141 = arith.addf %get3A_137, %add3A_140 : vector<256x128xf32>
      %swap3A = arith.constant 0 : index
      %swap3A_142 = arith.constant 0 : index
      %swap3A_143 = vector.load %arg27[%swap3A, %swap3A_142] : memref<256x128xf32, #tpu.memory_space<vmem>>, vector<256x128xf32>
      tpu.vector_store %arg27[%swap3A, %swap3A_142], %add3A_141 {strides = array<i32>} : memref<256x128xf32, #tpu.memory_space<vmem>>, vector<256x128xf32>,
      %get3A_144 = arith.constant 0 : index
      %get3A_145 = arith.constant 0 : index
      %get3A_146 = vector.load %arg28[%get3A_144, %get3A_145] : memref<256x128xf32, #tpu.memory_space<vmem>>, vector<256x128xf32>
      %mul3A_147 = arith.mulf %dot_general3A_134, %dot_general3A_134 : vector<256x4096xf32>
      %dot_general3A_148 = arith.constant dense<0.000000e+00> : vector<256x1xf32>
      %dot_general3A_149 = tpu.matmul %mul3A_147, %broadcast_in_dim3A_4, %dot_general3A_148 {dimension_numbers = #tpu.dot_dimension_numbers<[1], [0], [0], [1], [0, 0, 1, 1], [], []>, precision = #tpu.contract_precision<fp32>, transpose_lhs_hint = false} : vector<256x4096xf32>, vector<4096x1xf32>, vector<256x1xf32> -> vector<256x1xf32>
      %add3A_150 = vector.broadcast %dot_general3A_149 : vector<256x1xf32> to vector<256x128xf32>
      %add3A_151 = arith.addf %get3A_146, %add3A_150 : vector<256x128xf32>
      %swap3A_152 = arith.constant 0 : index
      %swap3A_153 = arith.constant 0 : index
      %swap3A_154 = vector.load %arg28[%swap3A_152, %swap3A_153] : memref<256x128xf32, #tpu.memory_space<vmem>>, vector<256x128xf32>
      tpu.vector_store %arg28[%swap3A_152, %swap3A_153], %add3A_151 {strides = array<i32>} : memref<256x128xf32, #tpu.memory_space<vmem>>, vector<256x128xf32>,
    } else {
    }
    %eq3A_68 = arith.constant 4 : i32
    %eq3A_69 = arith.cmpi eq, %arg0, %eq3A_68 : i32
    %convert_element_type3A_70 = arith.extui %eq3A_69 : i1 to i32
    %cond3A_71 = arith.constant 0 : i32
    %cond3A_72 = arith.cmpi ne, %convert_element_type3A_70, %cond3A_71 : i32
    scf.if %cond3A_72 {
      %get3A_73 = arith.constant 0 : index
      %get3A_74 = arith.constant 0 : index
      %get3A_75 = vector.load %arg8[%get3A_73, %get3A_74] : memref<256x128xf32, #tpu.memory_space<vmem>>, vector<256x128xf32>
      %get3A_76 = arith.constant 0 : index
      %get3A_77 = arith.constant 0 : index
      %get3A_78 = vector.load %arg29[%get3A_76, %get3A_77] : memref<64x128xf32, #tpu.memory_space<vmem>>, vector<64x1xf32>
      %mul3A = vector.broadcast %get3A_78 : vector<64x1xf32> to vector<64x4096xf32>
      %mul3A_79 = arith.mulf %dot_general3A_47, %mul3A : vector<64x4096xf32>
      %get3A_80 = arith.constant 0 : index
      %get3A_81 = arith.constant 1 : index
      %get3A_82 = vector.load %arg29[%get3A_80, %get3A_81] : memref<64x128xf32, #tpu.memory_space<vmem>>, vector<64x1xf32>
      %add3A = vector.broadcast %get3A_82 : vector<64x1xf32> to vector<64x4096xf32>
      %add3A_83 = arith.addf %mul3A_79, %add3A : vector<64x4096xf32>
      %max3A = arith.constant 0.000000e+00 : f32
      %max3A_84 = vector.broadcast %max3A : f32 to vector<64x4096xf32>
      %max3A_85 = arith.maximumf %add3A_83, %max3A_84 : vector<64x4096xf32>
      %get3A_86 = arith.constant 0 : index
      %get3A_87 = arith.constant 0 : index
      %get3A_88 = vector.load %arg6[%get3A_86, %get3A_87] : memref<64x64xf32, #tpu.memory_space<vmem>>, vector<64x64xf32>
      %dot_general3A_89 = arith.constant dense<0.000000e+00> : vector<64x4096xf32>
      %dot_general3A_90 = tpu.matmul %get3A_88, %max3A_85, %dot_general3A_89 {dimension_numbers = #tpu.dot_dimension_numbers<[1], [0], [0], [1], [0, 0, 1, 1], [], []>, transpose_lhs_hint = false} : vector<64x64xf32>, vector<64x4096xf32>, vector<64x4096xf32> -> vector<64x4096xf32>
      %get3A_91 = arith.constant 0 : index
      %get3A_92 = arith.constant 0 : index
      %get3A_93 = vector.load %arg30[%get3A_91, %get3A_92] : memref<64x128xf32, #tpu.memory_space<vmem>>, vector<64x1xf32>
      %mul3A_94 = vector.broadcast %get3A_93 : vector<64x1xf32> to vector<64x4096xf32>
      %mul3A_95 = arith.mulf %dot_general3A_90, %mul3A_94 : vector<64x4096xf32>
      %get3A_96 = arith.constant 0 : index
      %get3A_97 = arith.constant 1 : index
      %get3A_98 = vector.load %arg30[%get3A_96, %get3A_97] : memref<64x128xf32, #tpu.memory_space<vmem>>, vector<64x1xf32>
      %add3A_99 = vector.broadcast %get3A_98 : vector<64x1xf32> to vector<64x4096xf32>
      %add3A_100 = arith.addf %mul3A_95, %add3A_99 : vector<64x4096xf32>
      %max3A_101 = arith.constant 0.000000e+00 : f32
      %max3A_102 = vector.broadcast %max3A_101 : f32 to vector<64x4096xf32>
      %max3A_103 = arith.maximumf %add3A_100, %max3A_102 : vector<64x4096xf32>
      %get3A_104 = arith.constant 0 : index
      %get3A_105 = arith.constant 0 : index
      %get3A_106 = vector.load %arg7[%get3A_104, %get3A_105] : memref<128x64xf32, #tpu.memory_space<vmem>>, vector<128x64xf32>
      %dot_general3A_107 = arith.constant dense<0.000000e+00> : vector<128x4096xf32>
      %dot_general3A_108 = tpu.matmul %get3A_106, %max3A_103, %dot_general3A_107 {dimension_numbers = #tpu.dot_dimension_numbers<[1], [0], [0], [1], [0, 0, 1, 1], [], []>, transpose_lhs_hint = false} : vector<128x64xf32>, vector<64x4096xf32>, vector<128x4096xf32> -> vector<128x4096xf32>
      %get3A_109 = arith.constant 0 : index
      %get3A_110 = arith.constant 0 : index
      %get3A_111 = vector.load %arg31[%get3A_109, %get3A_110] : memref<128x128xf32, #tpu.memory_space<vmem>>, vector<128x1xf32>
      %mul3A_112 = vector.broadcast %get3A_111 : vector<128x1xf32> to vector<128x4096xf32>
      %mul3A_113 = arith.mulf %dot_general3A_108, %mul3A_112 : vector<128x4096xf32>
      %get3A_114 = arith.constant 0 : index
      %get3A_115 = arith.constant 1 : index
      %get3A_116 = vector.load %arg31[%get3A_114, %get3A_115] : memref<128x128xf32, #tpu.memory_space<vmem>>, vector<128x1xf32>
      %add3A_117 = vector.broadcast %get3A_116 : vector<128x1xf32> to vector<128x4096xf32>
      %add3A_118 = arith.addf %mul3A_113, %add3A_117 : vector<128x4096xf32>
      %max3A_119 = arith.constant 0.000000e+00 : f32
      %max3A_120 = vector.broadcast %max3A_119 : f32 to vector<128x4096xf32>
      %max3A_121 = arith.maximumf %add3A_118, %max3A_120 : vector<128x4096xf32>
      %dot_general3A_122 = arith.constant dense<0.000000e+00> : vector<256x4096xf32>
      %dot_general3A_123 = tpu.matmul %get3A_75, %max3A_121, %dot_general3A_122 {dimension_numbers = #tpu.dot_dimension_numbers<[1], [0], [0], [1], [0, 0, 1, 1], [], []>, transpose_lhs_hint = false} : vector<256x128xf32>, vector<128x4096xf32>, vector<256x4096xf32> -> vector<256x4096xf32>
      %get3A_124 = arith.constant 0 : index
      %get3A_125 = arith.constant 0 : index
      %get3A_126 = vector.load %arg32[%get3A_124, %get3A_125] : memref<256x128xf32, #tpu.memory_space<vmem>>, vector<256x1xf32>
      %mul3A_127 = vector.broadcast %get3A_126 : vector<256x1xf32> to vector<256x4096xf32>
      %mul3A_128 = arith.mulf %dot_general3A_123, %mul3A_127 : vector<256x4096xf32>
      %get3A_129 = arith.constant 0 : index
      %get3A_130 = arith.constant 1 : index
      %get3A_131 = vector.load %arg32[%get3A_129, %get3A_130] : memref<256x128xf32, #tpu.memory_space<vmem>>, vector<256x1xf32>
      %add3A_132 = vector.broadcast %get3A_131 : vector<256x1xf32> to vector<256x4096xf32>
      %add3A_133 = arith.addf %mul3A_128, %add3A_132 : vector<256x4096xf32>
      %max3A_134 = arith.constant 0.000000e+00 : f32
      %max3A_135 = vector.broadcast %max3A_134 : f32 to vector<256x4096xf32>
      %max3A_136 = arith.maximumf %add3A_133, %max3A_135 : vector<256x4096xf32>
      %mul3A_137 = vector.broadcast %get3A_3 : vector<1x4096xf32> to vector<256x4096xf32>
      %mul3A_138 = arith.mulf %max3A_136, %mul3A_137 : vector<256x4096xf32>
      %eq3A_139 = arith.constant 0 : i32
      %eq3A_140 = arith.cmpi eq, %arg2, %eq3A_139 : i32
      %convert_element_type3A_141 = arith.extui %eq3A_140 : i1 to i32
      %cond3A_142 = arith.constant 0 : i32
      %cond3A_143 = arith.cmpi ne, %convert_element_type3A_141, %cond3A_142 : i32
      scf.if %cond3A_143 {
        %swap3A = arith.constant 0 : index
        %swap3A_148 = arith.constant 0 : index
        %swap3A_149 = vector.load %arg20[%swap3A, %swap3A_148] : memref<256x4096xf32, #tpu.memory_space<vmem>>, vector<256x4096xf32>
        tpu.vector_store %arg20[%swap3A, %swap3A_148], %mul3A_138 {strides = array<i32>} : memref<256x4096xf32, #tpu.memory_space<vmem>>, vector<256x4096xf32>,
      } else {
      }
      %gt3A = arith.constant 0 : i32
      %gt3A_144 = arith.cmpi sgt, %arg2, %gt3A : i32
      %convert_element_type3A_145 = arith.extui %gt3A_144 : i1 to i32
      %cond3A_146 = arith.constant 0 : i32
      %cond3A_147 = arith.cmpi ne, %convert_element_type3A_145, %cond3A_146 : i32
      scf.if %cond3A_147 {
        %get3A_148 = arith.constant 0 : index
        %get3A_149 = arith.constant 0 : index
        %get3A_150 = vector.load %arg20[%get3A_148, %get3A_149] : memref<256x4096xf32, #tpu.memory_space<vmem>>, vector<256x4096xf32>
        %max3A_151 = arith.maximumf %get3A_150, %mul3A_138 : vector<256x4096xf32>
        %swap3A = arith.constant 0 : index
        %swap3A_152 = arith.constant 0 : index
        %swap3A_153 = vector.load %arg20[%swap3A, %swap3A_152] : memref<256x4096xf32, #tpu.memory_space<vmem>>, vector<256x4096xf32>
        tpu.vector_store %arg20[%swap3A, %swap3A_152], %max3A_151 {strides = array<i32>} : memref<256x4096xf32, #tpu.memory_space<vmem>>, vector<256x4096xf32>,
      } else {
      }
    } else {
    }
    return
  }
  func.func @transform_0(%arg0: i32, %arg1: i32, %arg2: i32) -> (i32, i32) {
    %mul3A = arith.constant 2 : i32
    %mul3A_0 = arith.muli %arg2, %mul3A : i32
    %add3A = arith.addi %mul3A_0, %arg1 : i32
    %c0_i32 = arith.constant 0 : i32
    %c0_i32_1 = arith.constant 0 : i32
    return %add3A, %c0_i32 : i32, i32
  }
  func.func @transform_1(%arg0: i32, %arg1: i32, %arg2: i32) -> (i32, i32, i32) {
    %c0_i32 = arith.constant 0 : i32
    %c0_i32_0 = arith.constant 0 : i32
    return %arg2, %c0_i32, %arg1 : i32, i32, i32
  }
  func.func @transform_2(%arg0: i32, %arg1: i32, %arg2: i32) -> (i32, i32) {
    %c0_i32 = arith.constant 0 : i32
    %c0_i32_0 = arith.constant 0 : i32
    %c0_i32_1 = arith.constant 0 : i32
    return %c0_i32, %c0_i32_0 : i32, i32
  }
  func.func @transform_3(%arg0: i32, %arg1: i32, %arg2: i32) -> (i32, i32) {
    %c0_i32 = arith.constant 0 : i32
    %c0_i32_0 = arith.constant 0 : i32
    %c0_i32_1 = arith.constant 0 : i32
    return %c0_i32, %c0_i32_0 : i32, i32
  }
  func.func @transform_4(%arg0: i32, %arg1: i32, %arg2: i32) -> (i32, i32) {
    %c0_i32 = arith.constant 0 : i32
    %c0_i32_0 = arith.constant 0 : i32
    %c0_i32_1 = arith.constant 0 : i32
    return %c0_i32, %c0_i32_0 : i32, i32
  }
  func.func @transform_5(%arg0: i32, %arg1: i32, %arg2: i32) -> (i32, i32) {
    %c0_i32 = arith.constant 0 : i32
    %c0_i32_0 = arith.constant 0 : i32
    %c0_i32_1 = arith.constant 0 : i32
    return %c0_i32, %c0_i32_0 : i32, i32
  }
  func.func @transform_6(%arg0: i32, %arg1: i32, %arg2: i32) -> (i32, i32) {
    %c0_i32 = arith.constant 0 : i32
    %c0_i32_0 = arith.constant 0 : i32
    %c0_i32_1 = arith.constant 0 : i32
    return %c0_i32, %c0_i32_0 : i32, i32
  }
  func.func @transform_7(%arg0: i32, %arg1: i32, %arg2: i32) -> (i32, i32) {
    %c0_i32 = arith.constant 0 : i32
    %c0_i32_0 = arith.constant 0 : i32
    %c0_i32_1 = arith.constant 0 : i32
    return %c0_i32, %c0_i32_0 : i32, i32
  }
  func.func @transform_8(%arg0: i32, %arg1: i32, %arg2: i32) -> (i32, i32) {
    %c0_i32 = arith.constant 0 : i32
    %c0_i32_0 = arith.constant 0 : i32
    %c0_i32_1 = arith.constant 0 : i32
    return %c0_i32, %c0_i32_0 : i32, i32
  }
  func.func @transform_9(%arg0: i32, %arg1: i32, %arg2: i32) -> (i32, i32) {
    %c0_i32 = arith.constant 0 : i32
    %c0_i32_0 = arith.constant 0 : i32
    %c0_i32_1 = arith.constant 0 : i32
    return %c0_i32, %c0_i32_0 : i32, i32
  }
  func.func @transform_10(%arg0: i32, %arg1: i32, %arg2: i32) -> (i32, i32) {
    %c0_i32 = arith.constant 0 : i32
    %c0_i32_0 = arith.constant 0 : i32
    %c0_i32_1 = arith.constant 0 : i32
    return %c0_i32, %c0_i32_0 : i32, i32
  }
  func.func @transform_11(%arg0: i32, %arg1: i32, %arg2: i32) -> (i32, i32) {
    %c0_i32 = arith.constant 0 : i32
    %c0_i32_0 = arith.constant 0 : i32
    %c0_i32_1 = arith.constant 0 : i32
    return %c0_i32, %c0_i32_0 : i32, i32
  }
  func.func @transform_12(%arg0: i32, %arg1: i32, %arg2: i32) -> (i32, i32) {
    %c0_i32 = arith.constant 0 : i32
    %c0_i32_0 = arith.constant 0 : i32
    %c0_i32_1 = arith.constant 0 : i32
    return %c0_i32, %c0_i32_0 : i32, i32
  }
  func.func @transform_13(%arg0: i32, %arg1: i32, %arg2: i32) -> (i32, i32) {
    %c0_i32 = arith.constant 0 : i32
    %c0_i32_0 = arith.constant 0 : i32
    %c0_i32_1 = arith.constant 0 : i32
    return %c0_i32, %c0_i32_0 : i32, i32
  }
  func.func @transform_14(%arg0: i32, %arg1: i32, %arg2: i32) -> (i32, i32) {
    %eq3A = arith.constant 1 : i32
    %eq3A_0 = arith.cmpi eq, %arg0, %eq3A : i32
    %lt3A = arith.constant 1 : i32
    %lt3A_1 = arith.cmpi slt, %arg0, %lt3A : i32
    %jit3A = arith.constant 2 : i32
    %jit3A_2 = arith.constant 3 : i32
    %select_n3A = arith.select %lt3A_1, %jit3A, %jit3A_2 : i32
    %select_n3A_3 = arith.select %eq3A_0, %arg1, %select_n3A : i32
    %c0_i32 = arith.constant 0 : i32
    %c0_i32_4 = arith.constant 0 : i32
    return %c0_i32, %select_n3A_3 : i32, i32
  }
  func.func @transform_15(%arg0: i32, %arg1: i32, %arg2: i32) -> (i32, i32) {
    %eq3A = arith.constant 2 : i32
    %eq3A_0 = arith.cmpi eq, %arg0, %eq3A : i32
    %lt3A = arith.constant 2 : i32
    %lt3A_1 = arith.cmpi slt, %arg0, %lt3A : i32
    %jit3A = arith.constant 2 : i32
    %jit3A_2 = arith.constant 3 : i32
    %select_n3A = arith.select %lt3A_1, %jit3A, %jit3A_2 : i32
    %select_n3A_3 = arith.select %eq3A_0, %arg1, %select_n3A : i32
    %c0_i32 = arith.constant 0 : i32
    %c0_i32_4 = arith.constant 0 : i32
    return %c0_i32, %select_n3A_3 : i32, i32
  }
  func.func @transform_16(%arg0: i32, %arg1: i32, %arg2: i32) -> (i32, i32) {
    %eq3A = arith.constant 3 : i32
    %eq3A_0 = arith.cmpi eq, %arg0, %eq3A : i32
    %lt3A = arith.constant 3 : i32
    %lt3A_1 = arith.cmpi slt, %arg0, %lt3A : i32
    %jit3A = arith.constant 2 : i32
    %jit3A_2 = arith.constant 3 : i32
    %select_n3A = arith.select %lt3A_1, %jit3A, %jit3A_2 : i32
    %select_n3A_3 = arith.select %eq3A_0, %arg1, %select_n3A : i32
    %c0_i32 = arith.constant 0 : i32
    %c0_i32_4 = arith.constant 0 : i32
    return %c0_i32, %select_n3A_3 : i32, i32
  }
  func.func @transform_17(%arg0: i32, %arg1: i32, %arg2: i32) -> (i32, i32) {
    %eq3A = arith.constant 4 : i32
    %eq3A_0 = arith.cmpi eq, %arg0, %eq3A : i32
    %lt3A = arith.constant 4 : i32
    %lt3A_1 = arith.cmpi slt, %arg0, %lt3A : i32
    %jit3A = arith.constant 2 : i32
    %jit3A_2 = arith.constant 3 : i32
    %select_n3A = arith.select %lt3A_1, %jit3A, %jit3A_2 : i32
    %select_n3A_3 = arith.select %eq3A_0, %arg1, %select_n3A : i32
    %c0_i32 = arith.constant 0 : i32
    %c0_i32_4 = arith.constant 0 : i32
    return %c0_i32, %select_n3A_3 : i32, i32
  }
}

module attributes {stable_mosaic.version = 14 : i64} {
  func.func @_chain_body(%arg0: i32, %arg1: i32, %arg2: i32, %arg3: memref<4096x16xf32, #tpu.memory_space<vmem>>, %arg4: memref<1x1x4096xf32, #tpu.memory_space<vmem>>, %arg5: memref<64x16xf32, #tpu.memory_space<vmem>>, %arg6: memref<64x64xf32, #tpu.memory_space<vmem>>, %arg7: memref<128x64xf32, #tpu.memory_space<vmem>>, %arg8: memref<256x128xf32, #tpu.memory_space<vmem>>, %arg9: memref<64x1xf32, #tpu.memory_space<vmem>>, %arg10: memref<64x1xf32, #tpu.memory_space<vmem>>, %arg11: memref<64x1xf32, #tpu.memory_space<vmem>>, %arg12: memref<64x1xf32, #tpu.memory_space<vmem>>, %arg13: memref<128x1xf32, #tpu.memory_space<vmem>>, %arg14: memref<128x1xf32, #tpu.memory_space<vmem>>, %arg15: memref<256x1xf32, #tpu.memory_space<vmem>>, %arg16: memref<256x1xf32, #tpu.memory_space<vmem>>, %arg17: memref<64x4096xf32, #tpu.memory_space<vmem>>, %arg18: memref<64x4096xf32, #tpu.memory_space<vmem>>, %arg19: memref<128x4096xf32, #tpu.memory_space<vmem>>, %arg20: memref<256x4096xf32, #tpu.memory_space<vmem>>, %arg21: memref<64x128xf32, #tpu.memory_space<vmem>>, %arg22: memref<64x128xf32, #tpu.memory_space<vmem>>, %arg23: memref<64x128xf32, #tpu.memory_space<vmem>>, %arg24: memref<64x128xf32, #tpu.memory_space<vmem>>, %arg25: memref<128x128xf32, #tpu.memory_space<vmem>>, %arg26: memref<128x128xf32, #tpu.memory_space<vmem>>, %arg27: memref<256x128xf32, #tpu.memory_space<vmem>>, %arg28: memref<256x128xf32, #tpu.memory_space<vmem>>, %arg29: memref<64x128xf32, #tpu.memory_space<vmem>>, %arg30: memref<64x128xf32, #tpu.memory_space<vmem>>, %arg31: memref<128x128xf32, #tpu.memory_space<vmem>>, %arg32: memref<256x128xf32, #tpu.memory_space<vmem>>) attributes {dimension_semantics = [#tpu.dimension_semantics<arbitrary>, #tpu.dimension_semantics<arbitrary>, #tpu.dimension_semantics<arbitrary>], iteration_bounds = array<i64: 5, 2, 4>, scalar_prefetch = 0 : i64, scratch_operands = 12 : i64, tpu.core_type = #tpu.core_type<tc>, window_params = [{transform_indices = @transform_0, window_bounds = array<i64: 4096, 16>}, {transform_indices = @transform_1, window_bounds = array<i64: 1, 1, 4096>}, {pipeline_mode = #tpu.pipeline_mode<synchronous>, transform_indices = @transform_2, window_bounds = array<i64: 64, 16>}, {pipeline_mode = #tpu.pipeline_mode<synchronous>, transform_indices = @transform_3, window_bounds = array<i64: 64, 64>}, {pipeline_mode = #tpu.pipeline_mode<synchronous>, transform_indices = @transform_4, window_bounds = array<i64: 128, 64>}, {pipeline_mode = #tpu.pipeline_mode<synchronous>, transform_indices = @transform_5, window_bounds = array<i64: 256, 128>}, {pipeline_mode = #tpu.pipeline_mode<synchronous>, transform_indices = @transform_6, window_bounds = array<i64: 64, 1>}, {pipeline_mode = #tpu.pipeline_mode<synchronous>, transform_indices = @transform_7, window_bounds = array<i64: 64, 1>}, {pipeline_mode = #tpu.pipeline_mode<synchronous>, transform_indices = @transform_8, window_bounds = array<i64: 64, 1>}, {pipeline_mode = #tpu.pipeline_mode<synchronous>, transform_indices = @transform_9, window_bounds = array<i64: 64, 1>}, {pipeline_mode = #tpu.pipeline_mode<synchronous>, transform_indices = @transform_10, window_bounds = array<i64: 128, 1>}, {pipeline_mode = #tpu.pipeline_mode<synchronous>, transform_indices = @transform_11, window_bounds = array<i64: 128, 1>}, {pipeline_mode = #tpu.pipeline_mode<synchronous>, transform_indices = @transform_12, window_bounds = array<i64: 256, 1>}, {pipeline_mode = #tpu.pipeline_mode<synchronous>, transform_indices = @transform_13, window_bounds = array<i64: 256, 1>}, {transform_indices = @transform_14, window_bounds = array<i64: 64, 4096>}, {transform_indices = @transform_15, window_bounds = array<i64: 64, 4096>}, {transform_indices = @transform_16, window_bounds = array<i64: 128, 4096>}, {transform_indices = @transform_17, window_bounds = array<i64: 256, 4096>}]} {
    %get3A = arith.constant 0 : index
    %get3A_0 = arith.constant 0 : index
    %get3A_1 = arith.constant 0 : index
    %get3A_2 = vector.load %arg4[%get3A, %get3A_0, %get3A_1] : memref<1x1x4096xf32, #tpu.memory_space<vmem>>, vector<1x1x4096xf32>
    %get3A_3 = vector.shape_cast %get3A_2 : vector<1x1x4096xf32> to vector<1x4096xf32>
    %broadcast_in_dim3A = arith.constant 1.000000e+00 : f32
    %broadcast_in_dim3A_4 = vector.broadcast %broadcast_in_dim3A : f32 to vector<4096x1xf32>
    %eq3A = arith.constant 0 : i32
    %eq3A_5 = arith.cmpi eq, %arg0, %eq3A : i32
    %eq3A_6 = arith.constant 0 : i32
    %eq3A_7 = arith.cmpi eq, %arg1, %eq3A_6 : i32
    %and3A = arith.andi %eq3A_5, %eq3A_7 : i1
    %eq3A_8 = arith.constant 0 : i32
    %eq3A_9 = arith.cmpi eq, %arg2, %eq3A_8 : i32
    %and3A_10 = arith.andi %and3A, %eq3A_9 : i1
    %convert_element_type3A = arith.extui %and3A_10 : i1 to i32
    %cond3A = arith.constant 0 : i32
    %cond3A_11 = arith.cmpi ne, %convert_element_type3A, %cond3A : i32
    scf.if %cond3A_11 {
      %broadcast_in_dim3A_73 = arith.constant 0.000000e+00 : f32
      %broadcast_in_dim3A_74 = vector.broadcast %broadcast_in_dim3A_73 : f32 to vector<64x128xf32>
      %swap3A = arith.constant 0 : index
      %swap3A_75 = arith.constant 0 : index
      %swap3A_76 = vector.load %arg21[%swap3A, %swap3A_75] : memref<64x128xf32, #tpu.memory_space<vmem>>, vector<64x128xf32>
      tpu.vector_store %arg21[%swap3A, %swap3A_75], %broadcast_in_dim3A_74 {strides = array<i32>} : memref<64x128xf32, #tpu.memory_space<vmem>>, vector<64x128xf32>,
      %broadcast_in_dim3A_77 = arith.constant 0.000000e+00 : f32
      %broadcast_in_dim3A_78 = vector.broadcast %broadcast_in_dim3A_77 : f32 to vector<64x128xf32>
      %swap3A_79 = arith.constant 0 : index
      %swap3A_80 = arith.constant 0 : index
      %swap3A_81 = vector.load %arg22[%swap3A_79, %swap3A_80] : memref<64x128xf32, #tpu.memory_space<vmem>>, vector<64x128xf32>
      tpu.vector_store %arg22[%swap3A_79, %swap3A_80], %broadcast_in_dim3A_78 {strides = array<i32>} : memref<64x128xf32, #tpu.memory_space<vmem>>, vector<64x128xf32>,
      %broadcast_in_dim3A_82 = arith.constant 0.000000e+00 : f32
      %broadcast_in_dim3A_83 = vector.broadcast %broadcast_in_dim3A_82 : f32 to vector<64x128xf32>
      %swap3A_84 = arith.constant 0 : index
      %swap3A_85 = arith.constant 0 : index
      %swap3A_86 = vector.load %arg23[%swap3A_84, %swap3A_85] : memref<64x128xf32, #tpu.memory_space<vmem>>, vector<64x128xf32>
      tpu.vector_store %arg23[%swap3A_84, %swap3A_85], %broadcast_in_dim3A_83 {strides = array<i32>} : memref<64x128xf32, #tpu.memory_space<vmem>>, vector<64x128xf32>,
      %broadcast_in_dim3A_87 = arith.constant 0.000000e+00 : f32
      %broadcast_in_dim3A_88 = vector.broadcast %broadcast_in_dim3A_87 : f32 to vector<64x128xf32>
      %swap3A_89 = arith.constant 0 : index
      %swap3A_90 = arith.constant 0 : index
      %swap3A_91 = vector.load %arg24[%swap3A_89, %swap3A_90] : memref<64x128xf32, #tpu.memory_space<vmem>>, vector<64x128xf32>
      tpu.vector_store %arg24[%swap3A_89, %swap3A_90], %broadcast_in_dim3A_88 {strides = array<i32>} : memref<64x128xf32, #tpu.memory_space<vmem>>, vector<64x128xf32>,
      %broadcast_in_dim3A_92 = arith.constant 0.000000e+00 : f32
      %broadcast_in_dim3A_93 = vector.broadcast %broadcast_in_dim3A_92 : f32 to vector<128x128xf32>
      %swap3A_94 = arith.constant 0 : index
      %swap3A_95 = arith.constant 0 : index
      %swap3A_96 = vector.load %arg25[%swap3A_94, %swap3A_95] : memref<128x128xf32, #tpu.memory_space<vmem>>, vector<128x128xf32>
      tpu.vector_store %arg25[%swap3A_94, %swap3A_95], %broadcast_in_dim3A_93 {strides = array<i32>} : memref<128x128xf32, #tpu.memory_space<vmem>>, vector<128x128xf32>,
      %broadcast_in_dim3A_97 = arith.constant 0.000000e+00 : f32
      %broadcast_in_dim3A_98 = vector.broadcast %broadcast_in_dim3A_97 : f32 to vector<128x128xf32>
      %swap3A_99 = arith.constant 0 : index
      %swap3A_100 = arith.constant 0 : index
      %swap3A_101 = vector.load %arg26[%swap3A_99, %swap3A_100] : memref<128x128xf32, #tpu.memory_space<vmem>>, vector<128x128xf32>
      tpu.vector_store %arg26[%swap3A_99, %swap3A_100], %broadcast_in_dim3A_98 {strides = array<i32>} : memref<128x128xf32, #tpu.memory_space<vmem>>, vector<128x128xf32>,
      %broadcast_in_dim3A_102 = arith.constant 0.000000e+00 : f32
      %broadcast_in_dim3A_103 = vector.broadcast %broadcast_in_dim3A_102 : f32 to vector<256x128xf32>
      %swap3A_104 = arith.constant 0 : index
      %swap3A_105 = arith.constant 0 : index
      %swap3A_106 = vector.load %arg27[%swap3A_104, %swap3A_105] : memref<256x128xf32, #tpu.memory_space<vmem>>, vector<256x128xf32>
      tpu.vector_store %arg27[%swap3A_104, %swap3A_105], %broadcast_in_dim3A_103 {strides = array<i32>} : memref<256x128xf32, #tpu.memory_space<vmem>>, vector<256x128xf32>,
      %broadcast_in_dim3A_107 = arith.constant 0.000000e+00 : f32
      %broadcast_in_dim3A_108 = vector.broadcast %broadcast_in_dim3A_107 : f32 to vector<256x128xf32>
      %swap3A_109 = arith.constant 0 : index
      %swap3A_110 = arith.constant 0 : index
      %swap3A_111 = vector.load %arg28[%swap3A_109, %swap3A_110] : memref<256x128xf32, #tpu.memory_space<vmem>>, vector<256x128xf32>
      tpu.vector_store %arg28[%swap3A_109, %swap3A_110], %broadcast_in_dim3A_108 {strides = array<i32>} : memref<256x128xf32, #tpu.memory_space<vmem>>, vector<256x128xf32>,
    } else {
    }
    %eq3A_12 = arith.constant 0 : i32
    %eq3A_13 = arith.cmpi eq, %arg1, %eq3A_12 : i32
    %eq3A_14 = arith.constant 0 : i32
    %eq3A_15 = arith.cmpi eq, %arg2, %eq3A_14 : i32
    %and3A_16 = arith.andi %eq3A_13, %eq3A_15 : i1
    %eq3A_17 = arith.constant 1 : i32
    %eq3A_18 = arith.cmpi eq, %arg0, %eq3A_17 : i32
    %and3A_19 = arith.andi %eq3A_18, %and3A_16 : i1
    %convert_element_type3A_20 = arith.extui %and3A_19 : i1 to i32
    %cond3A_21 = arith.constant 0 : i32
    %cond3A_22 = arith.cmpi ne, %convert_element_type3A_20, %cond3A_21 : i32
    scf.if %cond3A_22 {
      %get3A_73 = arith.constant 0 : index
      %get3A_74 = arith.constant 0 : index
      %get3A_75 = vector.load %arg21[%get3A_73, %get3A_74] : memref<64x128xf32, #tpu.memory_space<vmem>>, vector<64x1xf32>
      %div3A = arith.constant 3.276800e+04 : f32
      %div3A_76 = vector.broadcast %div3A : f32 to vector<64x1xf32>
      %div3A_77 = arith.divf %get3A_75, %div3A_76 : vector<64x1xf32>
      %get3A_78 = arith.constant 0 : index
      %get3A_79 = arith.constant 0 : index
      %get3A_80 = vector.load %arg22[%get3A_78, %get3A_79] : memref<64x128xf32, #tpu.memory_space<vmem>>, vector<64x1xf32>
      %div3A_81 = arith.constant 3.276800e+04 : f32
      %div3A_82 = vector.broadcast %div3A_81 : f32 to vector<64x1xf32>
      %div3A_83 = arith.divf %get3A_80, %div3A_82 : vector<64x1xf32>
      %mul3A = arith.mulf %div3A_77, %div3A_77 : vector<64x1xf32>
      %sub3A = arith.subf %div3A_83, %mul3A : vector<64x1xf32>
      %get3A_84 = arith.constant 0 : index
      %get3A_85 = arith.constant 0 : index
      %get3A_86 = vector.load %arg9[%get3A_84, %get3A_85] : memref<64x1xf32, #tpu.memory_space<vmem>>, vector<64x1xf32>
      %add3A = arith.constant 9.99999974E-6 : f32
      %add3A_87 = vector.broadcast %add3A : f32 to vector<64x1xf32>
      %add3A_88 = arith.addf %sub3A, %add3A_87 : vector<64x1xf32>
      %sqrt3A = math.sqrt %add3A_88 : vector<64x1xf32>
      %div3A_89 = arith.divf %get3A_86, %sqrt3A : vector<64x1xf32>
      %swap3A = arith.constant 0 : index
      %swap3A_90 = arith.constant 0 : index
      %swap3A_91 = vector.load %arg29[%swap3A, %swap3A_90] : memref<64x128xf32, #tpu.memory_space<vmem>>, vector<64x1xf32>
      tpu.vector_store %arg29[%swap3A, %swap3A_90], %div3A_89 {strides = array<i32>} : memref<64x128xf32, #tpu.memory_space<vmem>>, vector<64x1xf32>,
      %get3A_92 = arith.constant 0 : index
      %get3A_93 = arith.constant 0 : index
      %get3A_94 = vector.load %arg10[%get3A_92, %get3A_93] : memref<64x1xf32, #tpu.memory_space<vmem>>, vector<64x1xf32>
      %mul3A_95 = arith.mulf %div3A_77, %div3A_89 : vector<64x1xf32>
      %sub3A_96 = arith.subf %get3A_94, %mul3A_95 : vector<64x1xf32>
      %swap3A_97 = arith.constant 0 : index
      %swap3A_98 = arith.constant 1 : index
      %swap3A_99 = vector.load %arg29[%swap3A_97, %swap3A_98] : memref<64x128xf32, #tpu.memory_space<vmem>>, vector<64x1xf32>
      tpu.vector_store %arg29[%swap3A_97, %swap3A_98], %sub3A_96 {strides = array<i32>} : memref<64x128xf32, #tpu.memory_space<vmem>>, vector<64x1xf32>,
    } else {
    }
    %eq3A_23 = arith.constant 2 : i32
    %eq3A_24 = arith.cmpi eq, %arg0, %eq3A_23 : i32
    %and3A_25 = arith.andi %eq3A_24, %and3A_16 : i1
    %convert_element_type3A_26 = arith.extui %and3A_25 : i1 to i32
    %cond3A_27 = arith.constant 0 : i32
    %cond3A_28 = arith.cmpi ne, %convert_element_type3A_26, %cond3A_27 : i32
    scf.if %cond3A_28 {
      %get3A_73 = arith.constant 0 : index
      %get3A_74 = arith.constant 0 : index
      %get3A_75 = vector.load %arg23[%get3A_73, %get3A_74] : memref<64x128xf32, #tpu.memory_space<vmem>>, vector<64x1xf32>
      %div3A = arith.constant 3.276800e+04 : f32
      %div3A_76 = vector.broadcast %div3A : f32 to vector<64x1xf32>
      %div3A_77 = arith.divf %get3A_75, %div3A_76 : vector<64x1xf32>
      %get3A_78 = arith.constant 0 : index
      %get3A_79 = arith.constant 0 : index
      %get3A_80 = vector.load %arg24[%get3A_78, %get3A_79] : memref<64x128xf32, #tpu.memory_space<vmem>>, vector<64x1xf32>
      %div3A_81 = arith.constant 3.276800e+04 : f32
      %div3A_82 = vector.broadcast %div3A_81 : f32 to vector<64x1xf32>
      %div3A_83 = arith.divf %get3A_80, %div3A_82 : vector<64x1xf32>
      %mul3A = arith.mulf %div3A_77, %div3A_77 : vector<64x1xf32>
      %sub3A = arith.subf %div3A_83, %mul3A : vector<64x1xf32>
      %get3A_84 = arith.constant 0 : index
      %get3A_85 = arith.constant 0 : index
      %get3A_86 = vector.load %arg11[%get3A_84, %get3A_85] : memref<64x1xf32, #tpu.memory_space<vmem>>, vector<64x1xf32>
      %add3A = arith.constant 9.99999974E-6 : f32
      %add3A_87 = vector.broadcast %add3A : f32 to vector<64x1xf32>
      %add3A_88 = arith.addf %sub3A, %add3A_87 : vector<64x1xf32>
      %sqrt3A = math.sqrt %add3A_88 : vector<64x1xf32>
      %div3A_89 = arith.divf %get3A_86, %sqrt3A : vector<64x1xf32>
      %swap3A = arith.constant 0 : index
      %swap3A_90 = arith.constant 0 : index
      %swap3A_91 = vector.load %arg30[%swap3A, %swap3A_90] : memref<64x128xf32, #tpu.memory_space<vmem>>, vector<64x1xf32>
      tpu.vector_store %arg30[%swap3A, %swap3A_90], %div3A_89 {strides = array<i32>} : memref<64x128xf32, #tpu.memory_space<vmem>>, vector<64x1xf32>,
      %get3A_92 = arith.constant 0 : index
      %get3A_93 = arith.constant 0 : index
      %get3A_94 = vector.load %arg12[%get3A_92, %get3A_93] : memref<64x1xf32, #tpu.memory_space<vmem>>, vector<64x1xf32>
      %mul3A_95 = arith.mulf %div3A_77, %div3A_89 : vector<64x1xf32>
      %sub3A_96 = arith.subf %get3A_94, %mul3A_95 : vector<64x1xf32>
      %swap3A_97 = arith.constant 0 : index
      %swap3A_98 = arith.constant 1 : index
      %swap3A_99 = vector.load %arg30[%swap3A_97, %swap3A_98] : memref<64x128xf32, #tpu.memory_space<vmem>>, vector<64x1xf32>
      tpu.vector_store %arg30[%swap3A_97, %swap3A_98], %sub3A_96 {strides = array<i32>} : memref<64x128xf32, #tpu.memory_space<vmem>>, vector<64x1xf32>,
    } else {
    }
    %eq3A_29 = arith.constant 3 : i32
    %eq3A_30 = arith.cmpi eq, %arg0, %eq3A_29 : i32
    %and3A_31 = arith.andi %eq3A_30, %and3A_16 : i1
    %convert_element_type3A_32 = arith.extui %and3A_31 : i1 to i32
    %cond3A_33 = arith.constant 0 : i32
    %cond3A_34 = arith.cmpi ne, %convert_element_type3A_32, %cond3A_33 : i32
    scf.if %cond3A_34 {
      %get3A_73 = arith.constant 0 : index
      %get3A_74 = arith.constant 0 : index
      %get3A_75 = vector.load %arg25[%get3A_73, %get3A_74] : memref<128x128xf32, #tpu.memory_space<vmem>>, vector<128x1xf32>
      %div3A = arith.constant 3.276800e+04 : f32
      %div3A_76 = vector.broadcast %div3A : f32 to vector<128x1xf32>
      %div3A_77 = arith.divf %get3A_75, %div3A_76 : vector<128x1xf32>
      %get3A_78 = arith.constant 0 : index
      %get3A_79 = arith.constant 0 : index
      %get3A_80 = vector.load %arg26[%get3A_78, %get3A_79] : memref<128x128xf32, #tpu.memory_space<vmem>>, vector<128x1xf32>
      %div3A_81 = arith.constant 3.276800e+04 : f32
      %div3A_82 = vector.broadcast %div3A_81 : f32 to vector<128x1xf32>
      %div3A_83 = arith.divf %get3A_80, %div3A_82 : vector<128x1xf32>
      %mul3A = arith.mulf %div3A_77, %div3A_77 : vector<128x1xf32>
      %sub3A = arith.subf %div3A_83, %mul3A : vector<128x1xf32>
      %get3A_84 = arith.constant 0 : index
      %get3A_85 = arith.constant 0 : index
      %get3A_86 = vector.load %arg13[%get3A_84, %get3A_85] : memref<128x1xf32, #tpu.memory_space<vmem>>, vector<128x1xf32>
      %add3A = arith.constant 9.99999974E-6 : f32
      %add3A_87 = vector.broadcast %add3A : f32 to vector<128x1xf32>
      %add3A_88 = arith.addf %sub3A, %add3A_87 : vector<128x1xf32>
      %sqrt3A = math.sqrt %add3A_88 : vector<128x1xf32>
      %div3A_89 = arith.divf %get3A_86, %sqrt3A : vector<128x1xf32>
      %swap3A = arith.constant 0 : index
      %swap3A_90 = arith.constant 0 : index
      %swap3A_91 = vector.load %arg31[%swap3A, %swap3A_90] : memref<128x128xf32, #tpu.memory_space<vmem>>, vector<128x1xf32>
      tpu.vector_store %arg31[%swap3A, %swap3A_90], %div3A_89 {strides = array<i32>} : memref<128x128xf32, #tpu.memory_space<vmem>>, vector<128x1xf32>,
      %get3A_92 = arith.constant 0 : index
      %get3A_93 = arith.constant 0 : index
      %get3A_94 = vector.load %arg14[%get3A_92, %get3A_93] : memref<128x1xf32, #tpu.memory_space<vmem>>, vector<128x1xf32>
      %mul3A_95 = arith.mulf %div3A_77, %div3A_89 : vector<128x1xf32>
      %sub3A_96 = arith.subf %get3A_94, %mul3A_95 : vector<128x1xf32>
      %swap3A_97 = arith.constant 0 : index
      %swap3A_98 = arith.constant 1 : index
      %swap3A_99 = vector.load %arg31[%swap3A_97, %swap3A_98] : memref<128x128xf32, #tpu.memory_space<vmem>>, vector<128x1xf32>
      tpu.vector_store %arg31[%swap3A_97, %swap3A_98], %sub3A_96 {strides = array<i32>} : memref<128x128xf32, #tpu.memory_space<vmem>>, vector<128x1xf32>,
    } else {
    }
    %eq3A_35 = arith.constant 4 : i32
    %eq3A_36 = arith.cmpi eq, %arg0, %eq3A_35 : i32
    %and3A_37 = arith.andi %eq3A_36, %and3A_16 : i1
    %convert_element_type3A_38 = arith.extui %and3A_37 : i1 to i32
    %cond3A_39 = arith.constant 0 : i32
    %cond3A_40 = arith.cmpi ne, %convert_element_type3A_38, %cond3A_39 : i32
    scf.if %cond3A_40 {
      %get3A_73 = arith.constant 0 : index
      %get3A_74 = arith.constant 0 : index
      %get3A_75 = vector.load %arg27[%get3A_73, %get3A_74] : memref<256x128xf32, #tpu.memory_space<vmem>>, vector<256x1xf32>
      %div3A = arith.constant 3.276800e+04 : f32
      %div3A_76 = vector.broadcast %div3A : f32 to vector<256x1xf32>
      %div3A_77 = arith.divf %get3A_75, %div3A_76 : vector<256x1xf32>
      %get3A_78 = arith.constant 0 : index
      %get3A_79 = arith.constant 0 : index
      %get3A_80 = vector.load %arg28[%get3A_78, %get3A_79] : memref<256x128xf32, #tpu.memory_space<vmem>>, vector<256x1xf32>
      %div3A_81 = arith.constant 3.276800e+04 : f32
      %div3A_82 = vector.broadcast %div3A_81 : f32 to vector<256x1xf32>
      %div3A_83 = arith.divf %get3A_80, %div3A_82 : vector<256x1xf32>
      %mul3A = arith.mulf %div3A_77, %div3A_77 : vector<256x1xf32>
      %sub3A = arith.subf %div3A_83, %mul3A : vector<256x1xf32>
      %get3A_84 = arith.constant 0 : index
      %get3A_85 = arith.constant 0 : index
      %get3A_86 = vector.load %arg15[%get3A_84, %get3A_85] : memref<256x1xf32, #tpu.memory_space<vmem>>, vector<256x1xf32>
      %add3A = arith.constant 9.99999974E-6 : f32
      %add3A_87 = vector.broadcast %add3A : f32 to vector<256x1xf32>
      %add3A_88 = arith.addf %sub3A, %add3A_87 : vector<256x1xf32>
      %sqrt3A = math.sqrt %add3A_88 : vector<256x1xf32>
      %div3A_89 = arith.divf %get3A_86, %sqrt3A : vector<256x1xf32>
      %swap3A = arith.constant 0 : index
      %swap3A_90 = arith.constant 0 : index
      %swap3A_91 = vector.load %arg32[%swap3A, %swap3A_90] : memref<256x128xf32, #tpu.memory_space<vmem>>, vector<256x1xf32>
      tpu.vector_store %arg32[%swap3A, %swap3A_90], %div3A_89 {strides = array<i32>} : memref<256x128xf32, #tpu.memory_space<vmem>>, vector<256x1xf32>,
      %get3A_92 = arith.constant 0 : index
      %get3A_93 = arith.constant 0 : index
      %get3A_94 = vector.load %arg16[%get3A_92, %get3A_93] : memref<256x1xf32, #tpu.memory_space<vmem>>, vector<256x1xf32>
      %mul3A_95 = arith.mulf %div3A_77, %div3A_89 : vector<256x1xf32>
      %sub3A_96 = arith.subf %get3A_94, %mul3A_95 : vector<256x1xf32>
      %swap3A_97 = arith.constant 0 : index
      %swap3A_98 = arith.constant 1 : index
      %swap3A_99 = vector.load %arg32[%swap3A_97, %swap3A_98] : memref<256x128xf32, #tpu.memory_space<vmem>>, vector<256x1xf32>
      tpu.vector_store %arg32[%swap3A_97, %swap3A_98], %sub3A_96 {strides = array<i32>} : memref<256x128xf32, #tpu.memory_space<vmem>>, vector<256x1xf32>,
    } else {
    }
    %get3A_41 = arith.constant 0 : index
    %get3A_42 = arith.constant 0 : index
    %get3A_43 = vector.load %arg5[%get3A_41, %get3A_42] : memref<64x16xf32, #tpu.memory_space<vmem>>, vector<64x16xf32>
    %get3A_44 = arith.constant 0 : index
    %get3A_45 = arith.constant 0 : index
    %get3A_46 = vector.load %arg3[%get3A_44, %get3A_45] : memref<4096x16xf32, #tpu.memory_space<vmem>>, vector<4096x16xf32>
    %dot_general3A = arith.constant dense<0.000000e+00> : vector<64x4096xf32>
    %dot_general3A_47 = tpu.matmul %get3A_43, %get3A_46, %dot_general3A {dimension_numbers = #tpu.dot_dimension_numbers<[1], [1], [0], [0], [0, 0, 1, 0], [], []>, transpose_lhs_hint = false} : vector<64x16xf32>, vector<4096x16xf32>, vector<64x4096xf32> -> vector<64x4096xf32>
    %eq3A_48 = arith.constant 0 : i32
    %eq3A_49 = arith.cmpi eq, %arg0, %eq3A_48 : i32
    %convert_element_type3A_50 = arith.extui %eq3A_49 : i1 to i32
    %cond3A_51 = arith.constant 0 : i32
    %cond3A_52 = arith.cmpi ne, %convert_element_type3A_50, %cond3A_51 : i32
    scf.if %cond3A_52 {
      %get3A_73 = arith.constant 0 : index
      %get3A_74 = arith.constant 0 : index
      %get3A_75 = vector.load %arg21[%get3A_73, %get3A_74] : memref<64x128xf32, #tpu.memory_space<vmem>>, vector<64x128xf32>
      %dot_general3A_76 = arith.constant dense<0.000000e+00> : vector<64x1xf32>
      %dot_general3A_77 = tpu.matmul %dot_general3A_47, %broadcast_in_dim3A_4, %dot_general3A_76 {dimension_numbers = #tpu.dot_dimension_numbers<[1], [0], [0], [1], [0, 0, 1, 1], [], []>, precision = #tpu.contract_precision<fp32>, transpose_lhs_hint = false} : vector<64x4096xf32>, vector<4096x1xf32>, vector<64x1xf32> -> vector<64x1xf32>
      %add3A = vector.broadcast %dot_general3A_77 : vector<64x1xf32> to vector<64x128xf32>
      %add3A_78 = arith.addf %get3A_75, %add3A : vector<64x128xf32>
      %swap3A = arith.constant 0 : index
      %swap3A_79 = arith.constant 0 : index
      %swap3A_80 = vector.load %arg21[%swap3A, %swap3A_79] : memref<64x128xf32, #tpu.memory_space<vmem>>, vector<64x128xf32>
      tpu.vector_store %arg21[%swap3A, %swap3A_79], %add3A_78 {strides = array<i32>} : memref<64x128xf32, #tpu.memory_space<vmem>>, vector<64x128xf32>,
      %get3A_81 = arith.constant 0 : index
      %get3A_82 = arith.constant 0 : index
      %get3A_83 = vector.load %arg22[%get3A_81, %get3A_82] : memref<64x128xf32, #tpu.memory_space<vmem>>, vector<64x128xf32>
      %mul3A = arith.mulf %dot_general3A_47, %dot_general3A_47 : vector<64x4096xf32>
      %dot_general3A_84 = arith.constant dense<0.000000e+00> : vector<64x1xf32>
      %dot_general3A_85 = tpu.matmul %mul3A, %broadcast_in_dim3A_4, %dot_general3A_84 {dimension_numbers = #tpu.dot_dimension_numbers<[1], [0], [0], [1], [0, 0, 1, 1], [], []>, precision = #tpu.contract_precision<fp32>, transpose_lhs_hint = false} : vector<64x4096xf32>, vector<4096x1xf32>, vector<64x1xf32> -> vector<64x1xf32>
      %add3A_86 = vector.broadcast %dot_general3A_85 : vector<64x1xf32> to vector<64x128xf32>
      %add3A_87 = arith.addf %get3A_83, %add3A_86 : vector<64x128xf32>
      %swap3A_88 = arith.constant 0 : index
      %swap3A_89 = arith.constant 0 : index
      %swap3A_90 = vector.load %arg22[%swap3A_88, %swap3A_89] : memref<64x128xf32, #tpu.memory_space<vmem>>, vector<64x128xf32>
      tpu.vector_store %arg22[%swap3A_88, %swap3A_89], %add3A_87 {strides = array<i32>} : memref<64x128xf32, #tpu.memory_space<vmem>>, vector<64x128xf32>,
    } else {
    }
    %eq3A_53 = arith.constant 1 : i32
    %eq3A_54 = arith.cmpi eq, %arg0, %eq3A_53 : i32
    %convert_element_type3A_55 = arith.extui %eq3A_54 : i1 to i32
    %cond3A_56 = arith.constant 0 : i32
    %cond3A_57 = arith.cmpi ne, %convert_element_type3A_55, %cond3A_56 : i32
    scf.if %cond3A_57 {
      %get3A_73 = arith.constant 0 : index
      %get3A_74 = arith.constant 0 : index
      %get3A_75 = vector.load %arg29[%get3A_73, %get3A_74] : memref<64x128xf32, #tpu.memory_space<vmem>>, vector<64x1xf32>
      %mul3A = vector.broadcast %get3A_75 : vector<64x1xf32> to vector<64x4096xf32>
      %mul3A_76 = arith.mulf %dot_general3A_47, %mul3A : vector<64x4096xf32>
      %get3A_77 = arith.constant 0 : index
      %get3A_78 = arith.constant 1 : index
      %get3A_79 = vector.load %arg29[%get3A_77, %get3A_78] : memref<64x128xf32, #tpu.memory_space<vmem>>, vector<64x1xf32>
      %add3A = vector.broadcast %get3A_79 : vector<64x1xf32> to vector<64x4096xf32>
      %add3A_80 = arith.addf %mul3A_76, %add3A : vector<64x4096xf32>
      %max3A = arith.constant 0.000000e+00 : f32
      %max3A_81 = vector.broadcast %max3A : f32 to vector<64x4096xf32>
      %max3A_82 = arith.maximumf %add3A_80, %max3A_81 : vector<64x4096xf32>
      %mul3A_83 = vector.broadcast %get3A_3 : vector<1x4096xf32> to vector<64x4096xf32>
      %mul3A_84 = arith.mulf %max3A_82, %mul3A_83 : vector<64x4096xf32>
      %eq3A_85 = arith.constant 0 : i32
      %eq3A_86 = arith.cmpi eq, %arg2, %eq3A_85 : i32
      %convert_element_type3A_87 = arith.extui %eq3A_86 : i1 to i32
      %cond3A_88 = arith.constant 0 : i32
      %cond3A_89 = arith.cmpi ne, %convert_element_type3A_87, %cond3A_88 : i32
      scf.if %cond3A_89 {
        %swap3A_119 = arith.constant 0 : index
        %swap3A_120 = arith.constant 0 : index
        %swap3A_121 = vector.load %arg17[%swap3A_119, %swap3A_120] : memref<64x4096xf32, #tpu.memory_space<vmem>>, vector<64x4096xf32>
        tpu.vector_store %arg17[%swap3A_119, %swap3A_120], %mul3A_84 {strides = array<i32>} : memref<64x4096xf32, #tpu.memory_space<vmem>>, vector<64x4096xf32>,
      } else {
      }
      %gt3A = arith.constant 0 : i32
      %gt3A_90 = arith.cmpi sgt, %arg2, %gt3A : i32
      %convert_element_type3A_91 = arith.extui %gt3A_90 : i1 to i32
      %cond3A_92 = arith.constant 0 : i32
      %cond3A_93 = arith.cmpi ne, %convert_element_type3A_91, %cond3A_92 : i32
      scf.if %cond3A_93 {
        %get3A_119 = arith.constant 0 : index
        %get3A_120 = arith.constant 0 : index
        %get3A_121 = vector.load %arg17[%get3A_119, %get3A_120] : memref<64x4096xf32, #tpu.memory_space<vmem>>, vector<64x4096xf32>
        %max3A_122 = arith.maximumf %get3A_121, %mul3A_84 : vector<64x4096xf32>
        %swap3A_123 = arith.constant 0 : index
        %swap3A_124 = arith.constant 0 : index
        %swap3A_125 = vector.load %arg17[%swap3A_123, %swap3A_124] : memref<64x4096xf32, #tpu.memory_space<vmem>>, vector<64x4096xf32>
        tpu.vector_store %arg17[%swap3A_123, %swap3A_124], %max3A_122 {strides = array<i32>} : memref<64x4096xf32, #tpu.memory_space<vmem>>, vector<64x4096xf32>,
      } else {
      }
      %get3A_94 = arith.constant 0 : index
      %get3A_95 = arith.constant 0 : index
      %get3A_96 = vector.load %arg6[%get3A_94, %get3A_95] : memref<64x64xf32, #tpu.memory_space<vmem>>, vector<64x64xf32>
      %dot_general3A_97 = arith.constant dense<0.000000e+00> : vector<64x4096xf32>
      %dot_general3A_98 = tpu.matmul %get3A_96, %max3A_82, %dot_general3A_97 {dimension_numbers = #tpu.dot_dimension_numbers<[1], [0], [0], [1], [0, 0, 1, 1], [], []>, transpose_lhs_hint = false} : vector<64x64xf32>, vector<64x4096xf32>, vector<64x4096xf32> -> vector<64x4096xf32>
      %get3A_99 = arith.constant 0 : index
      %get3A_100 = arith.constant 0 : index
      %get3A_101 = vector.load %arg23[%get3A_99, %get3A_100] : memref<64x128xf32, #tpu.memory_space<vmem>>, vector<64x128xf32>
      %dot_general3A_102 = arith.constant dense<0.000000e+00> : vector<64x1xf32>
      %dot_general3A_103 = tpu.matmul %dot_general3A_98, %broadcast_in_dim3A_4, %dot_general3A_102 {dimension_numbers = #tpu.dot_dimension_numbers<[1], [0], [0], [1], [0, 0, 1, 1], [], []>, precision = #tpu.contract_precision<fp32>, transpose_lhs_hint = false} : vector<64x4096xf32>, vector<4096x1xf32>, vector<64x1xf32> -> vector<64x1xf32>
      %add3A_104 = vector.broadcast %dot_general3A_103 : vector<64x1xf32> to vector<64x128xf32>
      %add3A_105 = arith.addf %get3A_101, %add3A_104 : vector<64x128xf32>
      %swap3A = arith.constant 0 : index
      %swap3A_106 = arith.constant 0 : index
      %swap3A_107 = vector.load %arg23[%swap3A, %swap3A_106] : memref<64x128xf32, #tpu.memory_space<vmem>>, vector<64x128xf32>
      tpu.vector_store %arg23[%swap3A, %swap3A_106], %add3A_105 {strides = array<i32>} : memref<64x128xf32, #tpu.memory_space<vmem>>, vector<64x128xf32>,
      %get3A_108 = arith.constant 0 : index
      %get3A_109 = arith.constant 0 : index
      %get3A_110 = vector.load %arg24[%get3A_108, %get3A_109] : memref<64x128xf32, #tpu.memory_space<vmem>>, vector<64x128xf32>
      %mul3A_111 = arith.mulf %dot_general3A_98, %dot_general3A_98 : vector<64x4096xf32>
      %dot_general3A_112 = arith.constant dense<0.000000e+00> : vector<64x1xf32>
      %dot_general3A_113 = tpu.matmul %mul3A_111, %broadcast_in_dim3A_4, %dot_general3A_112 {dimension_numbers = #tpu.dot_dimension_numbers<[1], [0], [0], [1], [0, 0, 1, 1], [], []>, precision = #tpu.contract_precision<fp32>, transpose_lhs_hint = false} : vector<64x4096xf32>, vector<4096x1xf32>, vector<64x1xf32> -> vector<64x1xf32>
      %add3A_114 = vector.broadcast %dot_general3A_113 : vector<64x1xf32> to vector<64x128xf32>
      %add3A_115 = arith.addf %get3A_110, %add3A_114 : vector<64x128xf32>
      %swap3A_116 = arith.constant 0 : index
      %swap3A_117 = arith.constant 0 : index
      %swap3A_118 = vector.load %arg24[%swap3A_116, %swap3A_117] : memref<64x128xf32, #tpu.memory_space<vmem>>, vector<64x128xf32>
      tpu.vector_store %arg24[%swap3A_116, %swap3A_117], %add3A_115 {strides = array<i32>} : memref<64x128xf32, #tpu.memory_space<vmem>>, vector<64x128xf32>,
    } else {
    }
    %eq3A_58 = arith.constant 2 : i32
    %eq3A_59 = arith.cmpi eq, %arg0, %eq3A_58 : i32
    %convert_element_type3A_60 = arith.extui %eq3A_59 : i1 to i32
    %cond3A_61 = arith.constant 0 : i32
    %cond3A_62 = arith.cmpi ne, %convert_element_type3A_60, %cond3A_61 : i32
    scf.if %cond3A_62 {
      %get3A_73 = arith.constant 0 : index
      %get3A_74 = arith.constant 0 : index
      %get3A_75 = vector.load %arg29[%get3A_73, %get3A_74] : memref<64x128xf32, #tpu.memory_space<vmem>>, vector<64x1xf32>
      %mul3A = vector.broadcast %get3A_75 : vector<64x1xf32> to vector<64x4096xf32>
      %mul3A_76 = arith.mulf %dot_general3A_47, %mul3A : vector<64x4096xf32>
      %get3A_77 = arith.constant 0 : index
      %get3A_78 = arith.constant 1 : index
      %get3A_79 = vector.load %arg29[%get3A_77, %get3A_78] : memref<64x128xf32, #tpu.memory_space<vmem>>, vector<64x1xf32>
      %add3A = vector.broadcast %get3A_79 : vector<64x1xf32> to vector<64x4096xf32>
      %add3A_80 = arith.addf %mul3A_76, %add3A : vector<64x4096xf32>
      %max3A = arith.constant 0.000000e+00 : f32
      %max3A_81 = vector.broadcast %max3A : f32 to vector<64x4096xf32>
      %max3A_82 = arith.maximumf %add3A_80, %max3A_81 : vector<64x4096xf32>
      %get3A_83 = arith.constant 0 : index
      %get3A_84 = arith.constant 0 : index
      %get3A_85 = vector.load %arg6[%get3A_83, %get3A_84] : memref<64x64xf32, #tpu.memory_space<vmem>>, vector<64x64xf32>
      %dot_general3A_86 = arith.constant dense<0.000000e+00> : vector<64x4096xf32>
      %dot_general3A_87 = tpu.matmul %get3A_85, %max3A_82, %dot_general3A_86 {dimension_numbers = #tpu.dot_dimension_numbers<[1], [0], [0], [1], [0, 0, 1, 1], [], []>, transpose_lhs_hint = false} : vector<64x64xf32>, vector<64x4096xf32>, vector<64x4096xf32> -> vector<64x4096xf32>
      %get3A_88 = arith.constant 0 : index
      %get3A_89 = arith.constant 0 : index
      %get3A_90 = vector.load %arg30[%get3A_88, %get3A_89] : memref<64x128xf32, #tpu.memory_space<vmem>>, vector<64x1xf32>
      %mul3A_91 = vector.broadcast %get3A_90 : vector<64x1xf32> to vector<64x4096xf32>
      %mul3A_92 = arith.mulf %dot_general3A_87, %mul3A_91 : vector<64x4096xf32>
      %get3A_93 = arith.constant 0 : index
      %get3A_94 = arith.constant 1 : index
      %get3A_95 = vector.load %arg30[%get3A_93, %get3A_94] : memref<64x128xf32, #tpu.memory_space<vmem>>, vector<64x1xf32>
      %add3A_96 = vector.broadcast %get3A_95 : vector<64x1xf32> to vector<64x4096xf32>
      %add3A_97 = arith.addf %mul3A_92, %add3A_96 : vector<64x4096xf32>
      %max3A_98 = arith.constant 0.000000e+00 : f32
      %max3A_99 = vector.broadcast %max3A_98 : f32 to vector<64x4096xf32>
      %max3A_100 = arith.maximumf %add3A_97, %max3A_99 : vector<64x4096xf32>
      %mul3A_101 = vector.broadcast %get3A_3 : vector<1x4096xf32> to vector<64x4096xf32>
      %mul3A_102 = arith.mulf %max3A_100, %mul3A_101 : vector<64x4096xf32>
      %eq3A_103 = arith.constant 0 : i32
      %eq3A_104 = arith.cmpi eq, %arg2, %eq3A_103 : i32
      %convert_element_type3A_105 = arith.extui %eq3A_104 : i1 to i32
      %cond3A_106 = arith.constant 0 : i32
      %cond3A_107 = arith.cmpi ne, %convert_element_type3A_105, %cond3A_106 : i32
      scf.if %cond3A_107 {
        %swap3A_137 = arith.constant 0 : index
        %swap3A_138 = arith.constant 0 : index
        %swap3A_139 = vector.load %arg18[%swap3A_137, %swap3A_138] : memref<64x4096xf32, #tpu.memory_space<vmem>>, vector<64x4096xf32>
        tpu.vector_store %arg18[%swap3A_137, %swap3A_138], %mul3A_102 {strides = array<i32>} : memref<64x4096xf32, #tpu.memory_space<vmem>>, vector<64x4096xf32>,
      } else {
      }
      %gt3A = arith.constant 0 : i32
      %gt3A_108 = arith.cmpi sgt, %arg2, %gt3A : i32
      %convert_element_type3A_109 = arith.extui %gt3A_108 : i1 to i32
      %cond3A_110 = arith.constant 0 : i32
      %cond3A_111 = arith.cmpi ne, %convert_element_type3A_109, %cond3A_110 : i32
      scf.if %cond3A_111 {
        %get3A_137 = arith.constant 0 : index
        %get3A_138 = arith.constant 0 : index
        %get3A_139 = vector.load %arg18[%get3A_137, %get3A_138] : memref<64x4096xf32, #tpu.memory_space<vmem>>, vector<64x4096xf32>
        %max3A_140 = arith.maximumf %get3A_139, %mul3A_102 : vector<64x4096xf32>
        %swap3A_141 = arith.constant 0 : index
        %swap3A_142 = arith.constant 0 : index
        %swap3A_143 = vector.load %arg18[%swap3A_141, %swap3A_142] : memref<64x4096xf32, #tpu.memory_space<vmem>>, vector<64x4096xf32>
        tpu.vector_store %arg18[%swap3A_141, %swap3A_142], %max3A_140 {strides = array<i32>} : memref<64x4096xf32, #tpu.memory_space<vmem>>, vector<64x4096xf32>,
      } else {
      }
      %get3A_112 = arith.constant 0 : index
      %get3A_113 = arith.constant 0 : index
      %get3A_114 = vector.load %arg7[%get3A_112, %get3A_113] : memref<128x64xf32, #tpu.memory_space<vmem>>, vector<128x64xf32>
      %dot_general3A_115 = arith.constant dense<0.000000e+00> : vector<128x4096xf32>
      %dot_general3A_116 = tpu.matmul %get3A_114, %max3A_100, %dot_general3A_115 {dimension_numbers = #tpu.dot_dimension_numbers<[1], [0], [0], [1], [0, 0, 1, 1], [], []>, transpose_lhs_hint = false} : vector<128x64xf32>, vector<64x4096xf32>, vector<128x4096xf32> -> vector<128x4096xf32>
      %get3A_117 = arith.constant 0 : index
      %get3A_118 = arith.constant 0 : index
      %get3A_119 = vector.load %arg25[%get3A_117, %get3A_118] : memref<128x128xf32, #tpu.memory_space<vmem>>, vector<128x128xf32>
      %dot_general3A_120 = arith.constant dense<0.000000e+00> : vector<128x1xf32>
      %dot_general3A_121 = tpu.matmul %dot_general3A_116, %broadcast_in_dim3A_4, %dot_general3A_120 {dimension_numbers = #tpu.dot_dimension_numbers<[1], [0], [0], [1], [0, 0, 1, 1], [], []>, precision = #tpu.contract_precision<fp32>, transpose_lhs_hint = false} : vector<128x4096xf32>, vector<4096x1xf32>, vector<128x1xf32> -> vector<128x1xf32>
      %add3A_122 = vector.broadcast %dot_general3A_121 : vector<128x1xf32> to vector<128x128xf32>
      %add3A_123 = arith.addf %get3A_119, %add3A_122 : vector<128x128xf32>
      %swap3A = arith.constant 0 : index
      %swap3A_124 = arith.constant 0 : index
      %swap3A_125 = vector.load %arg25[%swap3A, %swap3A_124] : memref<128x128xf32, #tpu.memory_space<vmem>>, vector<128x128xf32>
      tpu.vector_store %arg25[%swap3A, %swap3A_124], %add3A_123 {strides = array<i32>} : memref<128x128xf32, #tpu.memory_space<vmem>>, vector<128x128xf32>,
      %get3A_126 = arith.constant 0 : index
      %get3A_127 = arith.constant 0 : index
      %get3A_128 = vector.load %arg26[%get3A_126, %get3A_127] : memref<128x128xf32, #tpu.memory_space<vmem>>, vector<128x128xf32>
      %mul3A_129 = arith.mulf %dot_general3A_116, %dot_general3A_116 : vector<128x4096xf32>
      %dot_general3A_130 = arith.constant dense<0.000000e+00> : vector<128x1xf32>
      %dot_general3A_131 = tpu.matmul %mul3A_129, %broadcast_in_dim3A_4, %dot_general3A_130 {dimension_numbers = #tpu.dot_dimension_numbers<[1], [0], [0], [1], [0, 0, 1, 1], [], []>, precision = #tpu.contract_precision<fp32>, transpose_lhs_hint = false} : vector<128x4096xf32>, vector<4096x1xf32>, vector<128x1xf32> -> vector<128x1xf32>
      %add3A_132 = vector.broadcast %dot_general3A_131 : vector<128x1xf32> to vector<128x128xf32>
      %add3A_133 = arith.addf %get3A_128, %add3A_132 : vector<128x128xf32>
      %swap3A_134 = arith.constant 0 : index
      %swap3A_135 = arith.constant 0 : index
      %swap3A_136 = vector.load %arg26[%swap3A_134, %swap3A_135] : memref<128x128xf32, #tpu.memory_space<vmem>>, vector<128x128xf32>
      tpu.vector_store %arg26[%swap3A_134, %swap3A_135], %add3A_133 {strides = array<i32>} : memref<128x128xf32, #tpu.memory_space<vmem>>, vector<128x128xf32>,
    } else {
    }
    %eq3A_63 = arith.constant 3 : i32
    %eq3A_64 = arith.cmpi eq, %arg0, %eq3A_63 : i32
    %convert_element_type3A_65 = arith.extui %eq3A_64 : i1 to i32
    %cond3A_66 = arith.constant 0 : i32
    %cond3A_67 = arith.cmpi ne, %convert_element_type3A_65, %cond3A_66 : i32
    scf.if %cond3A_67 {
      %get3A_73 = arith.constant 0 : index
      %get3A_74 = arith.constant 0 : index
      %get3A_75 = vector.load %arg29[%get3A_73, %get3A_74] : memref<64x128xf32, #tpu.memory_space<vmem>>, vector<64x1xf32>
      %mul3A = vector.broadcast %get3A_75 : vector<64x1xf32> to vector<64x4096xf32>
      %mul3A_76 = arith.mulf %dot_general3A_47, %mul3A : vector<64x4096xf32>
      %get3A_77 = arith.constant 0 : index
      %get3A_78 = arith.constant 1 : index
      %get3A_79 = vector.load %arg29[%get3A_77, %get3A_78] : memref<64x128xf32, #tpu.memory_space<vmem>>, vector<64x1xf32>
      %add3A = vector.broadcast %get3A_79 : vector<64x1xf32> to vector<64x4096xf32>
      %add3A_80 = arith.addf %mul3A_76, %add3A : vector<64x4096xf32>
      %max3A = arith.constant 0.000000e+00 : f32
      %max3A_81 = vector.broadcast %max3A : f32 to vector<64x4096xf32>
      %max3A_82 = arith.maximumf %add3A_80, %max3A_81 : vector<64x4096xf32>
      %get3A_83 = arith.constant 0 : index
      %get3A_84 = arith.constant 0 : index
      %get3A_85 = vector.load %arg6[%get3A_83, %get3A_84] : memref<64x64xf32, #tpu.memory_space<vmem>>, vector<64x64xf32>
      %dot_general3A_86 = arith.constant dense<0.000000e+00> : vector<64x4096xf32>
      %dot_general3A_87 = tpu.matmul %get3A_85, %max3A_82, %dot_general3A_86 {dimension_numbers = #tpu.dot_dimension_numbers<[1], [0], [0], [1], [0, 0, 1, 1], [], []>, transpose_lhs_hint = false} : vector<64x64xf32>, vector<64x4096xf32>, vector<64x4096xf32> -> vector<64x4096xf32>
      %get3A_88 = arith.constant 0 : index
      %get3A_89 = arith.constant 0 : index
      %get3A_90 = vector.load %arg30[%get3A_88, %get3A_89] : memref<64x128xf32, #tpu.memory_space<vmem>>, vector<64x1xf32>
      %mul3A_91 = vector.broadcast %get3A_90 : vector<64x1xf32> to vector<64x4096xf32>
      %mul3A_92 = arith.mulf %dot_general3A_87, %mul3A_91 : vector<64x4096xf32>
      %get3A_93 = arith.constant 0 : index
      %get3A_94 = arith.constant 1 : index
      %get3A_95 = vector.load %arg30[%get3A_93, %get3A_94] : memref<64x128xf32, #tpu.memory_space<vmem>>, vector<64x1xf32>
      %add3A_96 = vector.broadcast %get3A_95 : vector<64x1xf32> to vector<64x4096xf32>
      %add3A_97 = arith.addf %mul3A_92, %add3A_96 : vector<64x4096xf32>
      %max3A_98 = arith.constant 0.000000e+00 : f32
      %max3A_99 = vector.broadcast %max3A_98 : f32 to vector<64x4096xf32>
      %max3A_100 = arith.maximumf %add3A_97, %max3A_99 : vector<64x4096xf32>
      %get3A_101 = arith.constant 0 : index
      %get3A_102 = arith.constant 0 : index
      %get3A_103 = vector.load %arg7[%get3A_101, %get3A_102] : memref<128x64xf32, #tpu.memory_space<vmem>>, vector<128x64xf32>
      %dot_general3A_104 = arith.constant dense<0.000000e+00> : vector<128x4096xf32>
      %dot_general3A_105 = tpu.matmul %get3A_103, %max3A_100, %dot_general3A_104 {dimension_numbers = #tpu.dot_dimension_numbers<[1], [0], [0], [1], [0, 0, 1, 1], [], []>, transpose_lhs_hint = false} : vector<128x64xf32>, vector<64x4096xf32>, vector<128x4096xf32> -> vector<128x4096xf32>
      %get3A_106 = arith.constant 0 : index
      %get3A_107 = arith.constant 0 : index
      %get3A_108 = vector.load %arg31[%get3A_106, %get3A_107] : memref<128x128xf32, #tpu.memory_space<vmem>>, vector<128x1xf32>
      %mul3A_109 = vector.broadcast %get3A_108 : vector<128x1xf32> to vector<128x4096xf32>
      %mul3A_110 = arith.mulf %dot_general3A_105, %mul3A_109 : vector<128x4096xf32>
      %get3A_111 = arith.constant 0 : index
      %get3A_112 = arith.constant 1 : index
      %get3A_113 = vector.load %arg31[%get3A_111, %get3A_112] : memref<128x128xf32, #tpu.memory_space<vmem>>, vector<128x1xf32>
      %add3A_114 = vector.broadcast %get3A_113 : vector<128x1xf32> to vector<128x4096xf32>
      %add3A_115 = arith.addf %mul3A_110, %add3A_114 : vector<128x4096xf32>
      %max3A_116 = arith.constant 0.000000e+00 : f32
      %max3A_117 = vector.broadcast %max3A_116 : f32 to vector<128x4096xf32>
      %max3A_118 = arith.maximumf %add3A_115, %max3A_117 : vector<128x4096xf32>
      %mul3A_119 = vector.broadcast %get3A_3 : vector<1x4096xf32> to vector<128x4096xf32>
      %mul3A_120 = arith.mulf %max3A_118, %mul3A_119 : vector<128x4096xf32>
      %eq3A_121 = arith.constant 0 : i32
      %eq3A_122 = arith.cmpi eq, %arg2, %eq3A_121 : i32
      %convert_element_type3A_123 = arith.extui %eq3A_122 : i1 to i32
      %cond3A_124 = arith.constant 0 : i32
      %cond3A_125 = arith.cmpi ne, %convert_element_type3A_123, %cond3A_124 : i32
      scf.if %cond3A_125 {
        %swap3A_155 = arith.constant 0 : index
        %swap3A_156 = arith.constant 0 : index
        %swap3A_157 = vector.load %arg19[%swap3A_155, %swap3A_156] : memref<128x4096xf32, #tpu.memory_space<vmem>>, vector<128x4096xf32>
        tpu.vector_store %arg19[%swap3A_155, %swap3A_156], %mul3A_120 {strides = array<i32>} : memref<128x4096xf32, #tpu.memory_space<vmem>>, vector<128x4096xf32>,
      } else {
      }
      %gt3A = arith.constant 0 : i32
      %gt3A_126 = arith.cmpi sgt, %arg2, %gt3A : i32
      %convert_element_type3A_127 = arith.extui %gt3A_126 : i1 to i32
      %cond3A_128 = arith.constant 0 : i32
      %cond3A_129 = arith.cmpi ne, %convert_element_type3A_127, %cond3A_128 : i32
      scf.if %cond3A_129 {
        %get3A_155 = arith.constant 0 : index
        %get3A_156 = arith.constant 0 : index
        %get3A_157 = vector.load %arg19[%get3A_155, %get3A_156] : memref<128x4096xf32, #tpu.memory_space<vmem>>, vector<128x4096xf32>
        %max3A_158 = arith.maximumf %get3A_157, %mul3A_120 : vector<128x4096xf32>
        %swap3A_159 = arith.constant 0 : index
        %swap3A_160 = arith.constant 0 : index
        %swap3A_161 = vector.load %arg19[%swap3A_159, %swap3A_160] : memref<128x4096xf32, #tpu.memory_space<vmem>>, vector<128x4096xf32>
        tpu.vector_store %arg19[%swap3A_159, %swap3A_160], %max3A_158 {strides = array<i32>} : memref<128x4096xf32, #tpu.memory_space<vmem>>, vector<128x4096xf32>,
      } else {
      }
      %get3A_130 = arith.constant 0 : index
      %get3A_131 = arith.constant 0 : index
      %get3A_132 = vector.load %arg8[%get3A_130, %get3A_131] : memref<256x128xf32, #tpu.memory_space<vmem>>, vector<256x128xf32>
      %dot_general3A_133 = arith.constant dense<0.000000e+00> : vector<256x4096xf32>
      %dot_general3A_134 = tpu.matmul %get3A_132, %max3A_118, %dot_general3A_133 {dimension_numbers = #tpu.dot_dimension_numbers<[1], [0], [0], [1], [0, 0, 1, 1], [], []>, transpose_lhs_hint = false} : vector<256x128xf32>, vector<128x4096xf32>, vector<256x4096xf32> -> vector<256x4096xf32>
      %get3A_135 = arith.constant 0 : index
      %get3A_136 = arith.constant 0 : index
      %get3A_137 = vector.load %arg27[%get3A_135, %get3A_136] : memref<256x128xf32, #tpu.memory_space<vmem>>, vector<256x128xf32>
      %dot_general3A_138 = arith.constant dense<0.000000e+00> : vector<256x1xf32>
      %dot_general3A_139 = tpu.matmul %dot_general3A_134, %broadcast_in_dim3A_4, %dot_general3A_138 {dimension_numbers = #tpu.dot_dimension_numbers<[1], [0], [0], [1], [0, 0, 1, 1], [], []>, precision = #tpu.contract_precision<fp32>, transpose_lhs_hint = false} : vector<256x4096xf32>, vector<4096x1xf32>, vector<256x1xf32> -> vector<256x1xf32>
      %add3A_140 = vector.broadcast %dot_general3A_139 : vector<256x1xf32> to vector<256x128xf32>
      %add3A_141 = arith.addf %get3A_137, %add3A_140 : vector<256x128xf32>
      %swap3A = arith.constant 0 : index
      %swap3A_142 = arith.constant 0 : index
      %swap3A_143 = vector.load %arg27[%swap3A, %swap3A_142] : memref<256x128xf32, #tpu.memory_space<vmem>>, vector<256x128xf32>
      tpu.vector_store %arg27[%swap3A, %swap3A_142], %add3A_141 {strides = array<i32>} : memref<256x128xf32, #tpu.memory_space<vmem>>, vector<256x128xf32>,
      %get3A_144 = arith.constant 0 : index
      %get3A_145 = arith.constant 0 : index
      %get3A_146 = vector.load %arg28[%get3A_144, %get3A_145] : memref<256x128xf32, #tpu.memory_space<vmem>>, vector<256x128xf32>
      %mul3A_147 = arith.mulf %dot_general3A_134, %dot_general3A_134 : vector<256x4096xf32>
      %dot_general3A_148 = arith.constant dense<0.000000e+00> : vector<256x1xf32>
      %dot_general3A_149 = tpu.matmul %mul3A_147, %broadcast_in_dim3A_4, %dot_general3A_148 {dimension_numbers = #tpu.dot_dimension_numbers<[1], [0], [0], [1], [0, 0, 1, 1], [], []>, precision = #tpu.contract_precision<fp32>, transpose_lhs_hint = false} : vector<256x4096xf32>, vector<4096x1xf32>, vector<256x1xf32> -> vector<256x1xf32>
      %add3A_150 = vector.broadcast %dot_general3A_149 : vector<256x1xf32> to vector<256x128xf32>
      %add3A_151 = arith.addf %get3A_146, %add3A_150 : vector<256x128xf32>
      %swap3A_152 = arith.constant 0 : index
      %swap3A_153 = arith.constant 0 : index
      %swap3A_154 = vector.load %arg28[%swap3A_152, %swap3A_153] : memref<256x128xf32, #tpu.memory_space<vmem>>, vector<256x128xf32>
      tpu.vector_store %arg28[%swap3A_152, %swap3A_153], %add3A_151 {strides = array<i32>} : memref<256x128xf32, #tpu.memory_space<vmem>>, vector<256x128xf32>,
    } else {
    }
    %eq3A_68 = arith.constant 4 : i32
    %eq3A_69 = arith.cmpi eq, %arg0, %eq3A_68 : i32
    %convert_element_type3A_70 = arith.extui %eq3A_69 : i1 to i32
    %cond3A_71 = arith.constant 0 : i32
    %cond3A_72 = arith.cmpi ne, %convert_element_type3A_70, %cond3A_71 : i32
    scf.if %cond3A_72 {
      %get3A_73 = arith.constant 0 : index
      %get3A_74 = arith.constant 0 : index
      %get3A_75 = vector.load %arg8[%get3A_73, %get3A_74] : memref<256x128xf32, #tpu.memory_space<vmem>>, vector<256x128xf32>
      %get3A_76 = arith.constant 0 : index
      %get3A_77 = arith.constant 0 : index
      %get3A_78 = vector.load %arg29[%get3A_76, %get3A_77] : memref<64x128xf32, #tpu.memory_space<vmem>>, vector<64x1xf32>
      %mul3A = vector.broadcast %get3A_78 : vector<64x1xf32> to vector<64x4096xf32>
      %mul3A_79 = arith.mulf %dot_general3A_47, %mul3A : vector<64x4096xf32>
      %get3A_80 = arith.constant 0 : index
      %get3A_81 = arith.constant 1 : index
      %get3A_82 = vector.load %arg29[%get3A_80, %get3A_81] : memref<64x128xf32, #tpu.memory_space<vmem>>, vector<64x1xf32>
      %add3A = vector.broadcast %get3A_82 : vector<64x1xf32> to vector<64x4096xf32>
      %add3A_83 = arith.addf %mul3A_79, %add3A : vector<64x4096xf32>
      %max3A = arith.constant 0.000000e+00 : f32
      %max3A_84 = vector.broadcast %max3A : f32 to vector<64x4096xf32>
      %max3A_85 = arith.maximumf %add3A_83, %max3A_84 : vector<64x4096xf32>
      %get3A_86 = arith.constant 0 : index
      %get3A_87 = arith.constant 0 : index
      %get3A_88 = vector.load %arg6[%get3A_86, %get3A_87] : memref<64x64xf32, #tpu.memory_space<vmem>>, vector<64x64xf32>
      %dot_general3A_89 = arith.constant dense<0.000000e+00> : vector<64x4096xf32>
      %dot_general3A_90 = tpu.matmul %get3A_88, %max3A_85, %dot_general3A_89 {dimension_numbers = #tpu.dot_dimension_numbers<[1], [0], [0], [1], [0, 0, 1, 1], [], []>, transpose_lhs_hint = false} : vector<64x64xf32>, vector<64x4096xf32>, vector<64x4096xf32> -> vector<64x4096xf32>
      %get3A_91 = arith.constant 0 : index
      %get3A_92 = arith.constant 0 : index
      %get3A_93 = vector.load %arg30[%get3A_91, %get3A_92] : memref<64x128xf32, #tpu.memory_space<vmem>>, vector<64x1xf32>
      %mul3A_94 = vector.broadcast %get3A_93 : vector<64x1xf32> to vector<64x4096xf32>
      %mul3A_95 = arith.mulf %dot_general3A_90, %mul3A_94 : vector<64x4096xf32>
      %get3A_96 = arith.constant 0 : index
      %get3A_97 = arith.constant 1 : index
      %get3A_98 = vector.load %arg30[%get3A_96, %get3A_97] : memref<64x128xf32, #tpu.memory_space<vmem>>, vector<64x1xf32>
      %add3A_99 = vector.broadcast %get3A_98 : vector<64x1xf32> to vector<64x4096xf32>
      %add3A_100 = arith.addf %mul3A_95, %add3A_99 : vector<64x4096xf32>
      %max3A_101 = arith.constant 0.000000e+00 : f32
      %max3A_102 = vector.broadcast %max3A_101 : f32 to vector<64x4096xf32>
      %max3A_103 = arith.maximumf %add3A_100, %max3A_102 : vector<64x4096xf32>
      %get3A_104 = arith.constant 0 : index
      %get3A_105 = arith.constant 0 : index
      %get3A_106 = vector.load %arg7[%get3A_104, %get3A_105] : memref<128x64xf32, #tpu.memory_space<vmem>>, vector<128x64xf32>
      %dot_general3A_107 = arith.constant dense<0.000000e+00> : vector<128x4096xf32>
      %dot_general3A_108 = tpu.matmul %get3A_106, %max3A_103, %dot_general3A_107 {dimension_numbers = #tpu.dot_dimension_numbers<[1], [0], [0], [1], [0, 0, 1, 1], [], []>, transpose_lhs_hint = false} : vector<128x64xf32>, vector<64x4096xf32>, vector<128x4096xf32> -> vector<128x4096xf32>
      %get3A_109 = arith.constant 0 : index
      %get3A_110 = arith.constant 0 : index
      %get3A_111 = vector.load %arg31[%get3A_109, %get3A_110] : memref<128x128xf32, #tpu.memory_space<vmem>>, vector<128x1xf32>
      %mul3A_112 = vector.broadcast %get3A_111 : vector<128x1xf32> to vector<128x4096xf32>
      %mul3A_113 = arith.mulf %dot_general3A_108, %mul3A_112 : vector<128x4096xf32>
      %get3A_114 = arith.constant 0 : index
      %get3A_115 = arith.constant 1 : index
      %get3A_116 = vector.load %arg31[%get3A_114, %get3A_115] : memref<128x128xf32, #tpu.memory_space<vmem>>, vector<128x1xf32>
      %add3A_117 = vector.broadcast %get3A_116 : vector<128x1xf32> to vector<128x4096xf32>
      %add3A_118 = arith.addf %mul3A_113, %add3A_117 : vector<128x4096xf32>
      %max3A_119 = arith.constant 0.000000e+00 : f32
      %max3A_120 = vector.broadcast %max3A_119 : f32 to vector<128x4096xf32>
      %max3A_121 = arith.maximumf %add3A_118, %max3A_120 : vector<128x4096xf32>
      %dot_general3A_122 = arith.constant dense<0.000000e+00> : vector<256x4096xf32>
      %dot_general3A_123 = tpu.matmul %get3A_75, %max3A_121, %dot_general3A_122 {dimension_numbers = #tpu.dot_dimension_numbers<[1], [0], [0], [1], [0, 0, 1, 1], [], []>, transpose_lhs_hint = false} : vector<256x128xf32>, vector<128x4096xf32>, vector<256x4096xf32> -> vector<256x4096xf32>
      %get3A_124 = arith.constant 0 : index
      %get3A_125 = arith.constant 0 : index
      %get3A_126 = vector.load %arg32[%get3A_124, %get3A_125] : memref<256x128xf32, #tpu.memory_space<vmem>>, vector<256x1xf32>
      %mul3A_127 = vector.broadcast %get3A_126 : vector<256x1xf32> to vector<256x4096xf32>
      %mul3A_128 = arith.mulf %dot_general3A_123, %mul3A_127 : vector<256x4096xf32>
      %get3A_129 = arith.constant 0 : index
      %get3A_130 = arith.constant 1 : index
      %get3A_131 = vector.load %arg32[%get3A_129, %get3A_130] : memref<256x128xf32, #tpu.memory_space<vmem>>, vector<256x1xf32>
      %add3A_132 = vector.broadcast %get3A_131 : vector<256x1xf32> to vector<256x4096xf32>
      %add3A_133 = arith.addf %mul3A_128, %add3A_132 : vector<256x4096xf32>
      %max3A_134 = arith.constant 0.000000e+00 : f32
      %max3A_135 = vector.broadcast %max3A_134 : f32 to vector<256x4096xf32>
      %max3A_136 = arith.maximumf %add3A_133, %max3A_135 : vector<256x4096xf32>
      %mul3A_137 = vector.broadcast %get3A_3 : vector<1x4096xf32> to vector<256x4096xf32>
      %mul3A_138 = arith.mulf %max3A_136, %mul3A_137 : vector<256x4096xf32>
      %eq3A_139 = arith.constant 0 : i32
      %eq3A_140 = arith.cmpi eq, %arg2, %eq3A_139 : i32
      %convert_element_type3A_141 = arith.extui %eq3A_140 : i1 to i32
      %cond3A_142 = arith.constant 0 : i32
      %cond3A_143 = arith.cmpi ne, %convert_element_type3A_141, %cond3A_142 : i32
      scf.if %cond3A_143 {
        %swap3A = arith.constant 0 : index
        %swap3A_148 = arith.constant 0 : index
        %swap3A_149 = vector.load %arg20[%swap3A, %swap3A_148] : memref<256x4096xf32, #tpu.memory_space<vmem>>, vector<256x4096xf32>
        tpu.vector_store %arg20[%swap3A, %swap3A_148], %mul3A_138 {strides = array<i32>} : memref<256x4096xf32, #tpu.memory_space<vmem>>, vector<256x4096xf32>,
      } else {
      }
      %gt3A = arith.constant 0 : i32
      %gt3A_144 = arith.cmpi sgt, %arg2, %gt3A : i32
      %convert_element_type3A_145 = arith.extui %gt3A_144 : i1 to i32
      %cond3A_146 = arith.constant 0 : i32
      %cond3A_147 = arith.cmpi ne, %convert_element_type3A_145, %cond3A_146 : i32
      scf.if %cond3A_147 {
        %get3A_148 = arith.constant 0 : index
        %get3A_149 = arith.constant 0 : index
        %get3A_150 = vector.load %arg20[%get3A_148, %get3A_149] : memref<256x4096xf32, #tpu.memory_space<vmem>>, vector<256x4096xf32>
        %max3A_151 = arith.maximumf %get3A_150, %mul3A_138 : vector<256x4096xf32>
        %swap3A = arith.constant 0 : index
        %swap3A_152 = arith.constant 0 : index
        %swap3A_153 = vector.load %arg20[%swap3A, %swap3A_152] : memref<256x4096xf32, #tpu.memory_space<vmem>>, vector<256x4096xf32>
        tpu.vector_store %arg20[%swap3A, %swap3A_152], %max3A_151 {strides = array<i32>} : memref<256x4096xf32, #tpu.memory_space<vmem>>, vector<256x4096xf32>,
      } else {
      }
    } else {
    }
    return
  }
  func.func @transform_0(%arg0: i32, %arg1: i32, %arg2: i32) -> (i32, i32) {
    %mul3A = arith.constant 2 : i32
    %mul3A_0 = arith.muli %arg2, %mul3A : i32
    %add3A = arith.addi %mul3A_0, %arg1 : i32
    %c0_i32 = arith.constant 0 : i32
    %c0_i32_1 = arith.constant 0 : i32
    return %add3A, %c0_i32 : i32, i32
  }
  func.func @transform_1(%arg0: i32, %arg1: i32, %arg2: i32) -> (i32, i32, i32) {
    %c0_i32 = arith.constant 0 : i32
    %c0_i32_0 = arith.constant 0 : i32
    return %arg2, %c0_i32, %arg1 : i32, i32, i32
  }
  func.func @transform_2(%arg0: i32, %arg1: i32, %arg2: i32) -> (i32, i32) {
    %c0_i32 = arith.constant 0 : i32
    %c0_i32_0 = arith.constant 0 : i32
    %c0_i32_1 = arith.constant 0 : i32
    return %c0_i32, %c0_i32_0 : i32, i32
  }
  func.func @transform_3(%arg0: i32, %arg1: i32, %arg2: i32) -> (i32, i32) {
    %c0_i32 = arith.constant 0 : i32
    %c0_i32_0 = arith.constant 0 : i32
    %c0_i32_1 = arith.constant 0 : i32
    return %c0_i32, %c0_i32_0 : i32, i32
  }
  func.func @transform_4(%arg0: i32, %arg1: i32, %arg2: i32) -> (i32, i32) {
    %c0_i32 = arith.constant 0 : i32
    %c0_i32_0 = arith.constant 0 : i32
    %c0_i32_1 = arith.constant 0 : i32
    return %c0_i32, %c0_i32_0 : i32, i32
  }
  func.func @transform_5(%arg0: i32, %arg1: i32, %arg2: i32) -> (i32, i32) {
    %c0_i32 = arith.constant 0 : i32
    %c0_i32_0 = arith.constant 0 : i32
    %c0_i32_1 = arith.constant 0 : i32
    return %c0_i32, %c0_i32_0 : i32, i32
  }
  func.func @transform_6(%arg0: i32, %arg1: i32, %arg2: i32) -> (i32, i32) {
    %c0_i32 = arith.constant 0 : i32
    %c0_i32_0 = arith.constant 0 : i32
    %c0_i32_1 = arith.constant 0 : i32
    return %c0_i32, %c0_i32_0 : i32, i32
  }
  func.func @transform_7(%arg0: i32, %arg1: i32, %arg2: i32) -> (i32, i32) {
    %c0_i32 = arith.constant 0 : i32
    %c0_i32_0 = arith.constant 0 : i32
    %c0_i32_1 = arith.constant 0 : i32
    return %c0_i32, %c0_i32_0 : i32, i32
  }
  func.func @transform_8(%arg0: i32, %arg1: i32, %arg2: i32) -> (i32, i32) {
    %c0_i32 = arith.constant 0 : i32
    %c0_i32_0 = arith.constant 0 : i32
    %c0_i32_1 = arith.constant 0 : i32
    return %c0_i32, %c0_i32_0 : i32, i32
  }
  func.func @transform_9(%arg0: i32, %arg1: i32, %arg2: i32) -> (i32, i32) {
    %c0_i32 = arith.constant 0 : i32
    %c0_i32_0 = arith.constant 0 : i32
    %c0_i32_1 = arith.constant 0 : i32
    return %c0_i32, %c0_i32_0 : i32, i32
  }
  func.func @transform_10(%arg0: i32, %arg1: i32, %arg2: i32) -> (i32, i32) {
    %c0_i32 = arith.constant 0 : i32
    %c0_i32_0 = arith.constant 0 : i32
    %c0_i32_1 = arith.constant 0 : i32
    return %c0_i32, %c0_i32_0 : i32, i32
  }
  func.func @transform_11(%arg0: i32, %arg1: i32, %arg2: i32) -> (i32, i32) {
    %c0_i32 = arith.constant 0 : i32
    %c0_i32_0 = arith.constant 0 : i32
    %c0_i32_1 = arith.constant 0 : i32
    return %c0_i32, %c0_i32_0 : i32, i32
  }
  func.func @transform_12(%arg0: i32, %arg1: i32, %arg2: i32) -> (i32, i32) {
    %c0_i32 = arith.constant 0 : i32
    %c0_i32_0 = arith.constant 0 : i32
    %c0_i32_1 = arith.constant 0 : i32
    return %c0_i32, %c0_i32_0 : i32, i32
  }
  func.func @transform_13(%arg0: i32, %arg1: i32, %arg2: i32) -> (i32, i32) {
    %c0_i32 = arith.constant 0 : i32
    %c0_i32_0 = arith.constant 0 : i32
    %c0_i32_1 = arith.constant 0 : i32
    return %c0_i32, %c0_i32_0 : i32, i32
  }
  func.func @transform_14(%arg0: i32, %arg1: i32, %arg2: i32) -> (i32, i32) {
    %eq3A = arith.constant 1 : i32
    %eq3A_0 = arith.cmpi eq, %arg0, %eq3A : i32
    %lt3A = arith.constant 1 : i32
    %lt3A_1 = arith.cmpi slt, %arg0, %lt3A : i32
    %jit3A = arith.constant 2 : i32
    %jit3A_2 = arith.constant 3 : i32
    %select_n3A = arith.select %lt3A_1, %jit3A, %jit3A_2 : i32
    %select_n3A_3 = arith.select %eq3A_0, %arg1, %select_n3A : i32
    %c0_i32 = arith.constant 0 : i32
    %c0_i32_4 = arith.constant 0 : i32
    return %c0_i32, %select_n3A_3 : i32, i32
  }
  func.func @transform_15(%arg0: i32, %arg1: i32, %arg2: i32) -> (i32, i32) {
    %eq3A = arith.constant 2 : i32
    %eq3A_0 = arith.cmpi eq, %arg0, %eq3A : i32
    %lt3A = arith.constant 2 : i32
    %lt3A_1 = arith.cmpi slt, %arg0, %lt3A : i32
    %jit3A = arith.constant 2 : i32
    %jit3A_2 = arith.constant 3 : i32
    %select_n3A = arith.select %lt3A_1, %jit3A, %jit3A_2 : i32
    %select_n3A_3 = arith.select %eq3A_0, %arg1, %select_n3A : i32
    %c0_i32 = arith.constant 0 : i32
    %c0_i32_4 = arith.constant 0 : i32
    return %c0_i32, %select_n3A_3 : i32, i32
  }
  func.func @transform_16(%arg0: i32, %arg1: i32, %arg2: i32) -> (i32, i32) {
    %eq3A = arith.constant 3 : i32
    %eq3A_0 = arith.cmpi eq, %arg0, %eq3A : i32
    %lt3A = arith.constant 3 : i32
    %lt3A_1 = arith.cmpi slt, %arg0, %lt3A : i32
    %jit3A = arith.constant 2 : i32
    %jit3A_2 = arith.constant 3 : i32
    %select_n3A = arith.select %lt3A_1, %jit3A, %jit3A_2 : i32
    %select_n3A_3 = arith.select %eq3A_0, %arg1, %select_n3A : i32
    %c0_i32 = arith.constant 0 : i32
    %c0_i32_4 = arith.constant 0 : i32
    return %c0_i32, %select_n3A_3 : i32, i32
  }
  func.func @transform_17(%arg0: i32, %arg1: i32, %arg2: i32) -> (i32, i32) {
    %eq3A = arith.constant 4 : i32
    %eq3A_0 = arith.cmpi eq, %arg0, %eq3A : i32
    %lt3A = arith.constant 4 : i32
    %lt3A_1 = arith.cmpi slt, %arg0, %lt3A : i32
    %jit3A = arith.constant 2 : i32
    %jit3A_2 = arith.constant 3 : i32
    %select_n3A = arith.select %lt3A_1, %jit3A, %jit3A_2 : i32
    %select_n3A_3 = arith.select %eq3A_0, %arg1, %select_n3A : i32
    %c0_i32 = arith.constant 0 : i32
    %c0_i32_4 = arith.constant 0 : i32
    return %c0_i32, %select_n3A_3 : i32, i32
  }
}

</mosaic_0001>

<sc_bundles>
// kernel: kernel.6.cloned.1.call-start
scs
__scs_entry_jumppad:
0x0: {  	(pc) =	sbr.rel $0x88, $3  }
0x1: {  	(tag) =	ssettag $0x0;
	lr =	simm.s32 $0x1  }
0x2: {  	[smem:$0x3F92] =	sst lr;
	_ =	strace $0xD0000000  }
0x3: {  	_ = 	snop  }
0x4: {  	_ = 	snop  }
0x5: {  	_ = 	snop  }
0x6: {  	_ = 	snop  }
0x7: {  	_ = 	snop  }
__scs_overlays_trampoline_lowered:
0x8: {  	[smem:$0x3FA1] =	sst s0  }
0x9: {  	[smem:$0x3FA2] =	sst s1  }
0xa: {  	[smem:$0x3FA3] =	sst s2  }
0xb: {  	[smem:$0x3FA4] =	sst s3  }
0xc: {  	[smem:$0x3FA5] =	sst s4  }
0xd: {  	[smem:$0x3FA6] =	sst s5  }
0xe: {  	[smem:$0x3FA7] =	sst s6  }
0xf: {  	[smem:$0x3FA8] =	sst s7  }
0x10: {  	[smem:$0x3FA9] =	sst s8  }
0x11: {  	[smem:$0x3FAA] =	sst s9;
	s0 =	simm.s32 @!p0 $0x0  }
0x12: {  	s1 =	sld [smem:$0x3F90];
	s0 =	simm.s32 @p0 $0x1  }
0x13: {  	[smem:$0x3FAB] =	sst s0;
	s0 =	simm.s32 @!p1 $0x0  }
0x14: {  	s2 =	sld [smem:$0x3F8F];
	s0 =	simm.s32 @p1 $0x1  }
0x15: {  	[smem:$0x3FAC] =	sst s0;
	s0 =	simm.s32 @!p2 $0x0  }
0x16: {  	s3 =	sld [smem:$0x3FDB];
	s0 =	simm.s32 @p2 $0x1  }
0x17: {  	s4 =	simm.s32 $0x1BF5;
	[smem:$0x3FAE] =	sst s0  }
0x18: {  	s0 =	sld [smem:$0x3F91];
	_ =	swait.ge [sflag:s4], $0x0  }
0x19: {  	s7 =	sld [smem:$0x3F92]  }
0x1a: {  	s8 =	sadd.s32 $0xFFFFE003, lr  }
0x1b: {  	s9 =	sadd.s32 $0xFFFFFEF7, lr;
	s5 =	simm.s32 $0xFFFFFFFF;
	p2 =	slt.u32 s8, $0xFFFFF086  }
0x1c: {  	p1 =	slt.u32 s9, $0xF7A;
	s5 =	simm.s32 @!p2 $0x0  }
0x1d: {  	s5 =	simm.s32 @p1 $0x1;
	p0 =	seq.s32 s7, s2  }
0x1e: {  	s7 =	smul.u32 @!p0 $0xF7A, s2;
	p2 =	seq.s32 @!p0 s5, $0x0  }
0x1f: {  	s9 =	smul.u32 $0xF7A, s1;
	s8 =	simm.s32 @!p0 $0x1BF5;
	p2 =	por !p2, p0  }
0x20: {  	[sflag:s8] =	ssyncset.s32 @!p0 $0xFFFFF086;
	s6 =	sadd.s32 @!p0 s3, s7;
	s7 =	simm.s32 @!p0 $0x108  }
0x21: {  	s3 =	sadd.s32 s3, s9;
	s6 =	sadd.s32 @!p0 $0x88, s6;
	s7 =	simm.s32 @p2 $0x1082  }
0x22: {  	[simem:s7], [sflag:s8] =	dma.local @!p0 [hbm:s6], $0xF7A  }
0x23: {  	s9 =	sor.u32 $0xD0000000, s2;
	s6 =	simm.s32 $0x108;
	_ =	swait.ge @!p0 [sflag:s8], $0x0  }
0x24: {  	s3 =	sadd.s32 $0x88, s3;
	s6 =	simm.s32 @!p1 $0x1082;
	[sflag:s4] =	ssyncset.s32 $0xFFFFF086  }
0x25: {  	[simem:s6], [sflag:s4] =	dma.local [hbm:s3], $0xF7A  }
0x26: {  	[smem:$0x3F92] =	sst s1;
	(tag) =	ssettag s2;
	_ =	strace s9  }
0x27: {  	s1 =	sld [smem:$0x3FA2]  }
0x28: {  	s2 =	sld [smem:$0x3FA3]  }
0x29: {  	s4 =	sld [smem:$0x3FA5]  }
0x2a: {  	p0 =	seq.s32 s5, $0x0;
	s5 =	sld [smem:$0x3FA6]  }
0x2b: {  	s6 =	sld [smem:$0x3FA7]  }
0x2c: {  	s7 =	sld [smem:$0x3FA8]  }
0x2d: {  	s3 =	simm.s32 $0x108;
	s8 =	sld [smem:$0x3FA9]  }
0x2e: {  	s3 =	simm.s32 @!p0 $0x1082;
	s9 =	sld [smem:$0x3FAA]  }
0x2f: {  	lr =	sadd.s32 s0, s3;
	s0 =	sld [smem:$0x3FA1]  }
0x30: {  	s3 =	sld [smem:$0x3FA4]  }
0x31: {  	[smem:$0x3FAD] =	sst s10  }
0x32: {  	s10 =	sld [smem:$0x3FAB];
	_ =	sdelay $0x3  }
0x33: {  	p0 =	seq.s32 s10, $0x1;
	s10 =	sld [smem:$0x3FAD];
	_ =	sdelay $0x3  }
0x34: {  	[smem:$0x3FAD] =	sst s10  }
0x35: {  	s10 =	sld [smem:$0x3FAC];
	_ =	sdelay $0x3  }
0x36: {  	p1 =	seq.s32 s10, $0x1;
	s10 =	sld [smem:$0x3FAD];
	_ =	sdelay $0x3  }
0x37: {  	[smem:$0x3FAD] =	sst s10  }
0x38: {  	s10 =	sld [smem:$0x3FAE]  }
0x39: {  	_ = 	snop;
	(pc) =	sbr.ind lr, $3  }
0x3a: {  	_ = 	snop  }
0x3b: {  	_ = 	snop  }
0x3c: {  	p2 =	seq.s32 s10, $0x1;
	s10 =	sld [smem:$0x3FAD]  }
0x3d: {  	_ =	shalt  }
0x3e: {  	_ =	shalt  }
0x3f: {  	_ =	shalt  }
0x40: {  	_ =	shalt  }
0x41: {  	_ =	shalt  }
0x42: {  	_ =	shalt  }
0x43: {  	_ =	shalt  }
0x44: {  	_ =	shalt  }
0x45: {  	_ =	shalt  }
0x46: {  	_ =	shalt  }
0x47: {  	_ =	shalt  }
0x48: {  	_ =	shalt  }
0x49: {  	_ =	shalt  }
0x4a: {  	_ =	shalt  }
0x4b: {  	_ =	shalt  }
0x4c: {  	_ =	shalt  }
0x4d: {  	_ =	shalt  }
0x4e: {  	_ =	shalt  }
0x4f: {  	_ =	shalt  }
0x50: {  	_ =	shalt  }
0x51: {  	_ =	shalt  }
0x52: {  	_ =	shalt  }
0x53: {  	_ =	shalt  }
0x54: {  	_ =	shalt  }
0x55: {  	_ =	shalt  }
0x56: {  	_ =	shalt  }
0x57: {  	_ =	shalt  }
0x58: {  	_ =	shalt  }
0x59: {  	_ =	shalt  }
0x5a: {  	_ =	shalt  }
0x5b: {  	_ =	shalt  }
0x5c: {  	_ =	shalt  }
0x5d: {  	_ =	shalt  }
0x5e: {  	_ =	shalt  }
0x5f: {  	_ =	shalt  }
0x60: {  	_ =	shalt  }
0x61: {  	_ =	shalt  }
0x62: {  	_ =	shalt  }
0x63: {  	_ =	shalt  }
0x64: {  	_ =	shalt  }
0x65: {  	_ =	shalt  }
0x66: {  	_ =	shalt  }
0x67: {  	_ =	shalt  }
0x68: {  	_ =	shalt  }
0x69: {  	_ =	shalt  }
0x6a: {  	_ =	shalt  }
0x6b: {  	_ =	shalt  }
0x6c: {  	_ =	shalt  }
0x6d: {  	_ =	shalt  }
0x6e: {  	_ =	shalt  }
0x6f: {  	_ =	shalt  }
0x70: {  	_ =	shalt  }
0x71: {  	_ =	shalt  }
0x72: {  	_ =	shalt  }
0x73: {  	_ =	shalt  }
0x74: {  	_ =	shalt  }
0x75: {  	_ =	shalt  }
0x76: {  	_ =	shalt  }
0x77: {  	_ =	shalt  }
0x78: {  	_ =	shalt  }
0x79: {  	_ =	shalt  }
0x7a: {  	_ =	shalt  }
0x7b: {  	_ =	shalt  }
0x7c: {  	_ =	shalt  }
0x7d: {  	_ =	shalt  }
0x7e: {  	_ =	shalt  }
0x7f: {  	_ =	shalt  }
0x80: {  	_ =	shalt  }
0x81: {  	_ =	shalt  }
0x82: {  	_ =	shalt  }
0x83: {  	_ =	shalt  }
0x84: {  	_ =	shalt  }
0x85: {  	_ =	shalt  }
0x86: {  	_ =	shalt  }
0x87: {  	_ =	shalt  }
.Lfunc_end0:
.L_simem_size_0:
called_computation_lowered:
.L_overlay_start_0:
0x88: {  	s2 =	sld [smem:$0x3FD9]  }
0x89: {  	s3 =	sld [smem:$0x3FFE];
	_ =	sdelay $0x1  }
0x8a: {  	s1 =	srdreg.scid  }
0x8b: {  	s0 =	sand.u32 $0x1, s1  }
0x8c: {  	s14 =	sshll.u32 s0, $0xA;
	s2 =	sadd.s32 s3, s2  }
0x8d: {  	s2 =	sadd.s32 s2, s14  }
0x8e: {  	[smem:$0x3FB9] =	sst s2  }
0x8f: {  	_ = 	snop  }
0x90: {  	s2 =	sld [smem:$0x3FD0];
	_ =	sdelay $0x2  }
0x91: {  	s15 =	simm.s32 $0xA;
	s4 =	simm.s32 $0x10  }
0x92: {  	[smem:s4], [sflag:s15] =	dma.local [hbm:s2], $0x1  }
0x93: {  	_ =	swait.eq [sflag:s15], $0x1  }
0x94: {  	[sflag:s15] =	ssyncset.done $0x0  }
0x95: {  	s16 =	sld [smem:$0x10];
	[sflag:s15] =	ssyncadd.s32 $0xFFFFFFFF  }
0x96: {  	s17 =	sld [smem:$0x11];
	(tm) =	ssettm $0x1  }
0x97: {  	s18 =	sld [smem:$0x3FFB];
	_ =	sdelay $0x3  }
0x98: {  	_ =	strace s18  }
0x99: {  	s4 =	sld [smem:$0x3FFC];
	_ =	sdelay $0x3  }
0x9a: {  	_ =	strace s4  }
0x9b: {  	s4 =	sld [smem:$0x3FFD];
	_ =	sdelay $0x3  }
0x9c: {  	_ =	strace s4  }
0x9d: {  	_ =	strace $0x8FFFFFFF  }
0x9e: {  	s19 =	sld [smem:$0x3FDB];
	_ =	sdelay $0x1  }
0x9f: {  	s5 =	simm.s32 $_scs_section_size  }
0xa0: {  	s6 =	simm.s32 $_size__tile_overlayer_lowered;
	s7 =	simm.s32 $_tile_overlayer_lowered  }
0xa1: {  	s22 =	simm.s32 $0x1BFF;
	s21 =	sshll.u32 s7, $0x1;
	s4 =	sadd.s32 s5, s19  }
0xa2: {  	s8 =	simm.s32 $0x0;
	s20 =	sshll.u32 s6, $0x1;
	s6 =	sadd.s32 s21, s4  }
0xa3: {  	[timem:s8], [sflag:s22] =	dma.local [hbm:s6], s20  }
0xa4: {  	_ =	swait.ge [sflag:s22], s20  }
0xa5: {  	s5 =	ssub.s32 $0x0, s20;
	[sflag:s22] =	ssyncset.done $0x0  }
0xa6: {  	[sflag:s22] =	ssyncadd.s32 s5;
	_ =	sdelay $0x1  }
0xa7: {  	s23 =	simm.s32 $0x1B8B  }
0xa8: {  	_ =	swait.ge [sflag:s23], $0x1  }
0xa9: {  	[sflag:s23] =	ssyncset.done $0x0  }
0xaa: {  	s25 =	simm.s32 $0x1B8E;
	s24 =	sld [smem:$0x3FFE];
	[sflag:s23] =	ssyncadd.s32 $0xFFFFFFFF  }
0xab: {  	s26 =	simm.s32 $execute0_lowered;
	[smem:$0x3FD2] =	sst s25  }
0xac: {  	s6 =	sshll.u32 s26, $0x1;
	_ =	strace $0x80000046;
	[dreg:$0x1] =	wrdreg $0xFFFFFFFF  }
0xad: {  	s28 =	simm.s32 $_size_execute0_lowered;
	s4 =	sadd.s32 s4, s6;
	[dreg:$0x0] =	wrdreg $0x0  }
0xae: {  	s6 =	sshll.u32 s28, $0x1;
	[dreg:$0x2] =	wrdreg s4  }
0xaf: {  	[dreg:$0x3] =	wrdreg s6  }
0xb0: {  	[dreg:$0x4] =	wrdreg $0xC0  }
0xb1: {  	_ =	task [dreg:s8], $0x5FFFF  }
0xb2: {  	[dreg:$0x1] =	wrdreg $0xFFFFFFFF  }
0xb3: {  	[dreg:$0x0] =	wrdreg $0x60  }
0xb4: {  	[dreg:$0x2] =	wrdreg s17  }
0xb5: {  	[dreg:$0x3] =	wrdreg s24  }
0xb6: {  	[dreg:$0x4] =	wrdreg s16  }
0xb7: {  	[dreg:$0x5] =	wrdreg $0x9  }
0xb8: {  	_ =	task.clear_ibuf [dreg:s8], $0x6FFFF;
	_ =	strace $0x90000046  }
0xb9: {  	s29 =	simm.s32 $0x9;
	_ =	strace $0x80000048  }
0xba: {  	_ =	swait.ge [sflag:s29], $0x1  }
0xbb: {  	[sflag:s29] =	ssyncadd.s32 $0xFFFFFFFF  }
0xbc: {  	_ =	strace $0x90000048  }
0xbd: {  	_ =	sfence  }
0xbe: {  	s30 =	sld [smem:$0x0];
	_ =	sdelay $0x2  }
0xbf: {  	s31 =	sshll.u32 s1, $0xD;
	s1 =	sshrl.u32 s1, $0x2  }
0xc0: {  	s3 =	sand.u32 $0x4000, s31;
	s1 =	sadd.s32 s1, s30  }
0xc1: {  	s0 =	sor.u32 s3, s0;
	s1 =	sshll.u32 s1, $0x11  }
0xc2: {  	s0 =	sor.u32 s1, s0  }
0xc3: {  	s0 =	sadd.s32 $0x8F2B, s0  }
0xc4: {  	[sflag:s0] =	ssyncadd.remote.s32 $0x1  }
0xc5: {  	_ =	sfence.sel $0xFFFF  }
0xc6: {  	[dreg:$0x0] =	wrdreg $0xFFFFFFFF;
	(pc) =	sbr.abs _section_cstart, $3  }
0xc7: {  	[dreg:$0x1] =	wrdreg $0xFFFFFFFF  }
0xc8: {  	_ =	task.clear_ibuf [dreg:s8], $0x2FFFF;
	_ =	strace $0x9FFFFFFF  }
0xc9: {  	(tm) =	ssettm $0x7FFFFFFF  }
tec
execute0_lowered:
.L_overlay_start_1:
0x0: {  	(tag) =	ssettag $0x1  }
0x1: {  	s2 =	srdreg.scid  }
0x2: {  	s1 =	rddreg [dreg:$0x0];
	s0 =	stileid.u32;
	s6 =	sand.u32 $0x1, s2  }
0x3: {  	s4 =	rddreg [dreg:$0x1];
	s30 =	sshll.u32 s0, $0xD;
	s3 =	sshll.u32 s6, $0xC  }
0x4: {  	s8 =	rddreg [dreg:$0x2];
	s9 =	sor.u32 s3, s30  }
0x5: {  	s2 =	rddreg [dreg:$0x3];
	s3 =	simm.s32 $0x0;
	s5 =	sshrl.u32 s9, $0x3  }
0x6: {  	s10 =	ssub.s32 $0x2, s6;
	[smem:$0x7FF] =	sst s3;
	s4 =	sadd.s32 s5, s4  }
0x7: {  	_ =	strace $0x80000047;
	s5 =	sadd.s32 $0x3C00, s4;
	s4 =	simm.s32 $0x2  }
0x8: {  	[tilespmem:s3], [sflag:$0x2] =	stream.linear.gather [hbm4b:s5+s3], $0x1000, $0x38;
	[tilespmem:$0x11000] =	vst v63  }
0x9: {  	s11 =	sshrl.u32 s10, $0x1;
	_ =	swait.ge [sflag:s4], $0x1000  }
0xa: {  	s7 =	simm.s32 $0x1;
	s10 =	ssub.s32 s10, s11;
	[sflag:s4] =	ssyncset.done $0x0  }
0xb: {  	s6 =	simm.s32 $0x1000;
	s31 =	smax.u32 s10, $0x1;
	[sflag:s4] =	ssyncadd.s32 $0xFFFFF000  }
0xc: {  	[tilespmem:s6], [sflag:$0x1] =	stream.indirect.gather [hbm4b:s1+s6], $0x10, s3, s6, $0xb8;
	[tilespmem:$0x11000] =	vst v63  }
0xd: {  	p0 =	sne.s32 s31, $0x1;
	_ =	swait.ge [sflag:s7], $0x10000  }
.Ltmp0:
0xe: {  	s9 =	sshll.u32 s9, $0x1;
	[sflag:s7] =	ssyncset.done $0x0;
	(pc) =	sbr.rel @!p0 .LBB2_2-.Ltmp0, $4  }
0xf: {  	s8 =	sadd.s32 s8, s9;
	[sflag:s7] =	ssyncadd.s32 $0xFFFF0000  }
0x10: {  	[hbm4b:s8+s3] =	stream.linear.scatter [tilespmem:s6], [sflag:$0x2], $0x10000, $0x38;
	[tilespmem:$0x11000] =	vst v63  }
0x11: {  	_ =	swait.ge [sflag:s4], $0x10000  }
0x12: {  	s9 =	sadd.s32 $0xFFFFFFFF, s31;
	[sflag:s4] =	ssyncset.done $0x0  }
.LBB2_1:
0x13: {  	p0 =	sne.s32 s9, $0x1;
	s9 =	sadd.s32 $0xFFFFFFFF, s9;
	[sflag:s4] =	ssyncadd.s32 $0xFFFF0000  }
0x14: {  	[tilespmem:s3], [sflag:$0x2] =	stream.linear.gather [hbm4b:s5+s3], $0x1000, $0x38;
	[tilespmem:$0x11000] =	vst v63  }
0x15: {  	_ =	swait.ge [sflag:s4], $0x1000  }
0x16: {  	[sflag:s4] =	ssyncset.done $0x0  }
0x17: {  	[sflag:s4] =	ssyncadd.s32 $0xFFFFF000  }
0x18: {  	[tilespmem:s6], [sflag:$0x1] =	stream.indirect.gather [hbm4b:s1+s6], $0x10, s3, s6, $0xb8;
	[tilespmem:$0x11000] =	vst v63  }
0x19: {  	_ =	swait.ge [sflag:s7], $0x10000  }
.Ltmp1:
0x1a: {  	[sflag:s7] =	ssyncset.done $0x0;
	(pc) =	sbr.rel @p0 .LBB2_1-.Ltmp1, $4  }
0x1b: {  	[sflag:s7] =	ssyncadd.s32 $0xFFFF0000  }
0x1c: {  	[hbm4b:s8+s3] =	stream.linear.scatter [tilespmem:s6], [sflag:$0x2], $0x10000, $0x38;
	[tilespmem:$0x11000] =	vst v63  }
0x1d: {  	_ =	swait.ge [sflag:s4], $0x10000  }
0x1e: {  	[sflag:s4] =	ssyncset.done $0x0  }
.LBB2_2:
0x1f: {  	[sflag:s4] =	ssyncadd.s32 $0xFFFF0000  }
0x20: {  	_ =	sfence.sel $0x180000  }
0x21: {  	[bflag:$0x0] =	sbarrier.arrive $0xFFFF  }
0x22: {  	p0 =	sne.s32 s0, $0x0;
	_ =	strace $0x90000047  }
0x23: {  	s0 =	sadd.s32 @!p0 $0x100000, s2;
	[bflag:$0x2] =	sbarrier.arrive $0xFFFF  }
0x24: {  	[sflag:s0] =	ssyncadd.tile.s32 @!p0 $0x1;
	_ =	shalt  }
.Lfunc_end2:
_tile_overlayer_lowered:
.L_overlay_start_2:
0x25: {  	(tag) =	ssettag $0x2  }
0x26: {  	s0 =	rddreg [dreg:$0x0];
	s2 =	stileid.u32  }
0x27: {  	s1 =	rddreg [dreg:$0x1];
	p0 =	sne.s32 s2, $0x0  }
0x28: {  	s3 =	rddreg [dreg:$0x2];
	[bflag:$0x3] =	sbarrier.arrive $0xFFFF;
	s2 =	simm.s32 @!p0 $0x1C02  }
0x29: {  	[timem:s3], [sflag:s2] =	dma.local @!p0 [hbm:s0], s1  }
0x2a: {  	s0 =	simm.s32 @!p0 $0x2  }
0x2b: {  	_ =	swait.ge @!p0 [sflag:s0], s1  }
0x2c: {  	s1 =	ssub.s32 @!p0 $0x0, s1;
	[sflag:s0] =	ssyncset.done @!p0 $0x0  }
0x2d: {  	[sflag:s0] =	ssyncadd.s32 @!p0 s1  }
0x2e: {  	[bflag:$0x3] =	sbarrier.arrive $0xFFFF  }
0x2f: {  	_ =	shalt  }

</sc_bundles>
